<compile_context>
chip_gen: v7x
topology: tpu7x:2x2x1
jax: 0.10.2.dev20260603
libtpu: 0.0.44.dev20260713+nightly
codegen_flags: <defaults>
</compile_context>

<pallas_src>
import functools

import jax
import jax.numpy as jnp
from jax import lax
from jax.experimental import pallas as pl
from jax.experimental.pallas import tpu as pltpu
from jax.experimental.pallas import tpu_sc as plsc

_VOCAB = 1000000
_DIM = 64
_HID = 16
_PAD_IDX = 0
_SEQ = 200

_NC = 2
_NS = 16
_NW = _NC * _NS

_CHUNK = 128


def _sc_gather_body(table_hbm, idx_hbm, out_hbm, idx_v, rows_v, sem0, sem1,
                    *, b_per_w, n_chunks):
    wid = lax.axis_index("s") * _NC + lax.axis_index("c")
    base = wid * b_per_w
    pltpu.sync_copy(idx_hbm.at[pl.ds(base, b_per_w)], idx_v)

    sems = (sem0, sem1)
    n_pairs = n_chunks // 2

    def start(g, b):
        off = pl.multiple_of(g * _CHUNK, _CHUNK)
        pltpu.async_copy(
            table_hbm.at[idx_v.at[pl.ds(off, _CHUNK)]], rows_v.at[b], sems[b])

    def wait(b):
        pltpu.make_async_copy(
            table_hbm.at[idx_v.at[pl.ds(0, _CHUNK)]],
            rows_v.at[b], sems[b]).wait()

    def write(g, b):
        off = pl.multiple_of(g * _CHUNK, _CHUNK)
        pltpu.sync_copy(rows_v.at[b], out_hbm.at[pl.ds(base + off, _CHUNK)])

    start(0, 0)

    def body(p, _):
        g0 = p * 2
        start(g0 + 1, 1)
        wait(0)
        write(g0, 0)

        @pl.when(p + 1 < n_pairs)
        def _():
            start(g0 + 2, 0)

        wait(1)
        write(g0 + 1, 1)
        return 0

    lax.fori_loop(0, n_pairs, body, 0)


def _sc_gather(table, idx_flat):
    n = idx_flat.shape[0]
    b_per_w = n // _NW
    n_chunks = b_per_w // _CHUNK
    mesh = plsc.VectorSubcoreMesh(core_axis_name="c", subcore_axis_name="s")
    body = functools.partial(_sc_gather_body, b_per_w=b_per_w,
                             n_chunks=n_chunks)
    return pl.kernel(
        body,
        out_type=jax.ShapeDtypeStruct((n, _DIM), jnp.float32),
        mesh=mesh,
        scratch_types=[
            pltpu.VMEM((b_per_w,), jnp.int32),
            pltpu.VMEM((2, _CHUNK, _DIM), jnp.float32),
            pltpu.SemaphoreType.DMA,
            pltpu.SemaphoreType.DMA,
        ],
        compiler_params=pltpu.CompilerParams(use_tc_tiling_on_sc=False),
    )(table, idx_flat)


def _tc_fused_body(emb_ref, w1d_ref, b1d_ref, w2d_ref, out_ref, *, bb):
    rows = bb * _SEQ // 2
    e = emb_ref[...]
    w1d = w1d_ref[...]
    b1d = b1d_ref[...]
    w2d = w2d_ref[...]

    h = jnp.tanh(jnp.dot(e, w1d, preferred_element_type=jnp.float32) + b1d)
    m2 = jnp.dot(h, w2d, preferred_element_type=jnp.float32)
    p2 = jnp.exp(m2)

    iot2 = lax.broadcasted_iota(jnp.int32, (2, 2 * _DIM), 1) // _DIM
    half = jnp.where(
        iot2 == lax.broadcasted_iota(jnp.int32, (2, 2 * _DIM), 0), 1.0, 0.0)
    wdup = jnp.dot(p2, half, preferred_element_type=jnp.float32)
    ew = e * wdup

    rseg = _SEQ // 2
    seg = lax.broadcasted_iota(jnp.int32, (bb, rows), 1) // rseg
    gid = lax.broadcasted_iota(jnp.int32, (bb, rows), 0)
    g = jnp.where(seg == gid, 1.0, 0.0)

    svd = jnp.dot(g, ew, preferred_element_type=jnp.float32)
    q = jnp.sum(p2, axis=1, keepdims=True)
    gps = jnp.dot(g, q, preferred_element_type=jnp.float32)

    sv = svd[:, :_DIM] + svd[:, _DIM:]
    sv = sv / jnp.maximum(gps, 1e-30)
    nrm = jnp.sqrt(jnp.sum(sv * sv, axis=1, keepdims=True))
    out_ref[...] = sv / jnp.maximum(nrm, 1e-12)


def _tc_fused(emb2, w1, b1, w2, batch, bb=32, interpret=False):
    grid = batch // bb
    w1d = jnp.zeros((2 * _DIM, 2 * _HID), jnp.float32)
    w1d = w1d.at[:_DIM, :_HID].set(w1).at[_DIM:, _HID:].set(w1)
    b1d = jnp.concatenate([b1, b1]).reshape(1, 2 * _HID)
    w2d = jnp.zeros((2 * _HID, 2), jnp.float32)
    w2d = w2d.at[:_HID, 0].set(w2[:, 0]).at[_HID:, 1].set(w2[:, 0])

    rows = bb * _SEQ // 2
    body = functools.partial(_tc_fused_body, bb=bb)
    return pl.pallas_call(
        body,
        grid=(grid,),
        in_specs=[
            pl.BlockSpec((rows, 2 * _DIM), lambda i: (i, 0)),
            pl.BlockSpec((2 * _DIM, 2 * _HID), lambda i: (0, 0)),
            pl.BlockSpec((1, 2 * _HID), lambda i: (0, 0)),
            pl.BlockSpec((2 * _HID, 2), lambda i: (0, 0)),
        ],
        out_specs=pl.BlockSpec((bb, _DIM), lambda i: (i, 0)),
        out_shape=jax.ShapeDtypeStruct((batch, _DIM), jnp.float32),
        interpret=interpret,
    )(emb2, w1d, b1d, w2d)


def kernel(token_ids, table, W1, b1, W2, b2):
    batch = token_ids.shape[0]
    idx_flat = token_ids.reshape(-1).astype(jnp.int32)
    nsplit = 4
    bslice = batch // nsplit
    outs = []
    for s in range(nsplit):
        idx_s = lax.slice(idx_flat, (s * bslice * _SEQ,),
                          ((s + 1) * bslice * _SEQ,))
        emb = _sc_gather(table, idx_s)
        emb2 = emb.reshape(-1, 2 * _DIM)
        outs.append(_tc_fused(emb2, W1, b1, W2, bslice, bb=64))
    return jnp.concatenate(outs, axis=0)

# --- scband reference (transcript-rebuilt; emitter-appended) ---
"""Pipeline reference for scband-quantum-text-encoder-163208757542 (READ-ONLY COPY).

The authoritative reference and input builder live on the scoring server;
editing this copy changes nothing except your own understanding.
"""

import jax, jax.numpy as jnp
import numpy as np

VOCAB = 1000000
DIM = 64
PAD_IDX = 0
BATCH = 4096
SEQ = 200


def setup_inputs(seed: int = 0) -> dict:
    key = jax.random.key(seed)
    k1, k2, k3, k4 = jax.random.split(key, 4)
    token_ids = jax.random.randint(k1, (BATCH, SEQ), 0, VOCAB)
    table = jax.random.normal(k2, (VOCAB, DIM), dtype=jnp.float32) * 0.02
    table = table.at[PAD_IDX].set(0.0)
    W1 = jax.random.normal(k3, (DIM, DIM // 4), dtype=jnp.float32) * 0.05
    b1 = jnp.zeros((DIM // 4,), dtype=jnp.float32)
    W2 = jax.random.normal(k4, (DIM // 4, 1), dtype=jnp.float32) * 0.05
    b2 = jnp.zeros((1,), dtype=jnp.float32)
    return {"token_ids": token_ids, "table": table, "W1": W1, "b1": b1, "W2": W2, "b2": b2}


def reference(token_ids, table, W1, b1, W2, b2):
    # Embedding lookup (gather)
    emb = jnp.take(table, token_ids, axis=0)  # [B, S, D]
    # Gravity probe: Linear -> Tanh -> Linear
    h = jnp.tanh(jnp.matmul(emb, W1) + b1)    # [B, S, D//4]
    raw_mass = jnp.matmul(h, W2) + b2          # [B, S, 1]
    # Mask pad positions
    pad_mask = (token_ids == PAD_IDX)[..., None]
    raw_mass = jnp.where(pad_mask, -1e9, raw_mass)
    mass_distribution = jax.nn.softmax(raw_mass, axis=1)
    sentence_vector = jnp.sum(emb * mass_distribution, axis=1)  # [B, D]
    # F.normalize(p=2, dim=-1) with eps=1e-12
    norm = jnp.linalg.norm(sentence_vector, axis=-1, keepdims=True)
    sentence_vector = sentence_vector / jnp.clip(norm, 1e-12)
    return sentence_vector

if __name__ == "__main__":
    import jax
    _d = setup_inputs()
    print(jax.jit(kernel)(*tuple(_d.values())))

</pallas_src>

<mosaic_0001>
#map = affine_map<(d0, d1) -> (0, 0)>
#map1 = affine_map<(d0, d1) -> (0)>
module attributes {stable_mosaic.version = 14 : i64} {
  func.func @_sc_gather_body(%arg0: i32, %arg1: i32, %arg2: memref<1000000x64xf32, #tpu.memory_space<hbm>>, %arg3: memref<204800xi32, #tpu.memory_space<hbm>>, %arg4: memref<204800x64xf32, #tpu.memory_space<hbm>>, %arg5: memref<6400xi32, #tpu.memory_space<vmem>>, %arg6: memref<2x128x64xf32, #tpu.memory_space<vmem>>, %arg7: memref<!tpu.dma_semaphore, #tpu.memory_space<semaphore_mem>>, %arg8: memref<!tpu.dma_semaphore, #tpu.memory_space<semaphore_mem>>) attributes {dimension_semantics = [#tpu.dimension_semantics<core_parallel>, #tpu.dimension_semantics<subcore_parallel>], iteration_bounds = array<i64: 2, 16>, scalar_prefetch = 0 : i64, scratch_operands = 4 : i64, tpu.core_type = #tpu.core_type<sc_vector_subcore>, window_params = [{transform_indices = #map}, {transform_indices = #map1}, {transform_indices = #map}]} {
    %mul3A = arith.constant 2 : i32
    %mul3A_0 = arith.muli %arg1, %mul3A : i32
    %add3A = arith.addi %mul3A_0, %arg0 : i32
    %mul3A_1 = arith.constant 6400 : i32
    %mul3A_2 = arith.muli %add3A, %mul3A_1 : i32
    "tpu.region"() ({
      %run_scoped3A = tpu.sem_alloc : memref<!tpu.dma_semaphore, #tpu.memory_space<semaphore_mem>>
      %dma_start3A_18 = tpu.memref_slice %arg3[%mul3A_2] : memref<204800xi32, #tpu.memory_space<hbm>> -> memref<6400xi32, #tpu.memory_space<hbm>>
      %dma_start3A_19 = tpu.memref_slice %arg3[%mul3A_2] : memref<204800xi32, #tpu.memory_space<hbm>> -> memref<6400xi32, #tpu.memory_space<hbm>>
      tpu.enqueue_dma source(%dma_start3A_19 : memref<6400xi32, #tpu.memory_space<hbm>>) target(%arg5 : memref<6400xi32, #tpu.memory_space<vmem>>) target_semaphore(%run_scoped3A : memref<!tpu.dma_semaphore, #tpu.memory_space<semaphore_mem>>)
      %dma_wait3A = tpu.memref_slice %arg3[%mul3A_2] : memref<204800xi32, #tpu.memory_space<hbm>> -> memref<6400xi32, #tpu.memory_space<hbm>>
      %dma_wait3A_20 = tpu.memref_slice %arg3[%mul3A_2] : memref<204800xi32, #tpu.memory_space<hbm>> -> memref<6400xi32, #tpu.memory_space<hbm>>
      tpu.wait_dma2 semaphore(%run_scoped3A : memref<!tpu.dma_semaphore, #tpu.memory_space<semaphore_mem>>) src(%dma_wait3A_20 : memref<6400xi32, #tpu.memory_space<hbm>>) dst(%arg5 : memref<6400xi32, #tpu.memory_space<vmem>>)
      tpu.yield
    }) : () -> ()
    %multiple_of3A = arith.constant 0 : i32
    %multiple_of3A_3 = tpu.assume_multiple %multiple_of3A, 128 : i32
    %dma_start3A = arith.constant 0 : i32
    %dma_start3A_4 = arith.constant 0 : i32
    %dma_start3A_5 = arith.constant 0 : i32
    %dma_start3A_6 = tpu.memref_slice %arg6[%dma_start3A, %dma_start3A_4, %dma_start3A_5] : memref<2x128x64xf32, #tpu.memory_space<vmem>> -> memref<1x128x64xf32, #tpu.memory_space<vmem>>
    %dma_start3A_7 = tpu.memref_squeeze %dma_start3A_6 : memref<1x128x64xf32, #tpu.memory_space<vmem>> -> memref<128x64xf32, #tpu.memory_space<vmem>>
    %dma_start3A_8 = tpu.memref_slice %arg5[%multiple_of3A_3] : memref<6400xi32, #tpu.memory_space<vmem>> -> memref<128xi32, #tpu.memory_space<vmem>>
    %dma_start3A_9 = arith.constant 0 : i32
    %dma_start3A_10 = arith.constant 0 : i32
    %dma_start3A_11 = tpu.memref_slice %arg2[%dma_start3A_9, %dma_start3A_10] : memref<1000000x64xf32, #tpu.memory_space<hbm>> -> memref<1000000x64xf32, #tpu.memory_space<hbm>>
    tpu.enqueue_indirect_dma source(%dma_start3A_11 : memref<1000000x64xf32, #tpu.memory_space<hbm>>) target(%dma_start3A_7 : memref<128x64xf32, #tpu.memory_space<vmem>>) offsets(%dma_start3A_8 : memref<128xi32, #tpu.memory_space<vmem>>) semaphore(%arg7 : memref<!tpu.dma_semaphore, #tpu.memory_space<semaphore_mem>>)
    %scan3A = arith.constant 0 : i32
    %scan3A_12 = arith.constant 0 : i32
    %scan3A_13 = arith.constant 25 : i32
    %scan3A_14 = arith.addi %scan3A_12, %scan3A_13 : i32
    %scan3A_15 = arith.constant 1 : i32
    %scan3A_16 = scf.for %scan3A_18 = %scan3A_12 to %scan3A_14 step %scan3A_15 iter_args(%scan3A_19 = %scan3A) -> (i32)  : i32 {
      %mul3A_20 = arith.constant 2 : i32
      %mul3A_21 = arith.muli %scan3A_18, %mul3A_20 : i32
      %add3A_22 = arith.constant 1 : i32
      %add3A_23 = arith.addi %mul3A_21, %add3A_22 : i32
      %mul3A_24 = arith.constant 128 : i32
      %mul3A_25 = arith.muli %add3A_23, %mul3A_24 : i32
      %multiple_of3A_26 = tpu.assume_multiple %mul3A_25, 128 : i32
      %dma_start3A_27 = arith.constant 1 : i32
      %dma_start3A_28 = arith.constant 0 : i32
      %dma_start3A_29 = arith.constant 0 : i32
      %dma_start3A_30 = tpu.memref_slice %arg6[%dma_start3A_27, %dma_start3A_28, %dma_start3A_29] : memref<2x128x64xf32, #tpu.memory_space<vmem>> -> memref<1x128x64xf32, #tpu.memory_space<vmem>>
      %dma_start3A_31 = tpu.memref_squeeze %dma_start3A_30 : memref<1x128x64xf32, #tpu.memory_space<vmem>> -> memref<128x64xf32, #tpu.memory_space<vmem>>
      %dma_start3A_32 = tpu.memref_slice %arg5[%multiple_of3A_26] : memref<6400xi32, #tpu.memory_space<vmem>> -> memref<128xi32, #tpu.memory_space<vmem>>
      %dma_start3A_33 = arith.constant 0 : i32
      %dma_start3A_34 = arith.constant 0 : i32
      %dma_start3A_35 = tpu.memref_slice %arg2[%dma_start3A_33, %dma_start3A_34] : memref<1000000x64xf32, #tpu.memory_space<hbm>> -> memref<1000000x64xf32, #tpu.memory_space<hbm>>
      tpu.enqueue_indirect_dma source(%dma_start3A_35 : memref<1000000x64xf32, #tpu.memory_space<hbm>>) target(%dma_start3A_31 : memref<128x64xf32, #tpu.memory_space<vmem>>) offsets(%dma_start3A_32 : memref<128xi32, #tpu.memory_space<vmem>>) semaphore(%arg8 : memref<!tpu.dma_semaphore, #tpu.memory_space<semaphore_mem>>)
      %dma_wait3A = arith.constant 0 : i32
      %dma_wait3A_36 = arith.constant 0 : i32
      %dma_wait3A_37 = arith.constant 0 : i32
      %dma_wait3A_38 = tpu.memref_slice %arg6[%dma_wait3A, %dma_wait3A_36, %dma_wait3A_37] : memref<2x128x64xf32, #tpu.memory_space<vmem>> -> memref<1x128x64xf32, #tpu.memory_space<vmem>>
      %dma_wait3A_39 = tpu.memref_squeeze %dma_wait3A_38 : memref<1x128x64xf32, #tpu.memory_space<vmem>> -> memref<128x64xf32, #tpu.memory_space<vmem>>
      %dma_wait3A_40 = arith.constant 0 : i32
      %dma_wait3A_41 = tpu.memref_slice %arg5[%dma_wait3A_40] : memref<6400xi32, #tpu.memory_space<vmem>> -> memref<128xi32, #tpu.memory_space<vmem>>
      %dma_wait3A_42 = arith.constant 0 : i32
      %dma_wait3A_43 = arith.constant 0 : i32
      %dma_wait3A_44 = tpu.memref_slice %arg2[%dma_wait3A_42, %dma_wait3A_43] : memref<1000000x64xf32, #tpu.memory_space<hbm>> -> memref<1000000x64xf32, #tpu.memory_space<hbm>>
      tpu.wait_indirect_dma semaphore(%arg7 : memref<!tpu.dma_semaphore, #tpu.memory_space<semaphore_mem>>) src(%dma_wait3A_44 : memref<1000000x64xf32, #tpu.memory_space<hbm>>) dst(%dma_wait3A_39 : memref<128x64xf32, #tpu.memory_space<vmem>>)
      %mul3A_45 = arith.constant 128 : i32
      %mul3A_46 = arith.muli %mul3A_21, %mul3A_45 : i32
      %multiple_of3A_47 = tpu.assume_multiple %mul3A_46, 128 : i32
      %add3A_48 = arith.addi %mul3A_2, %multiple_of3A_47 : i32
      %run_scoped3A = arith.constant 0 : i32
      "tpu.region"() ({
        %run_scoped3A_71 = tpu.sem_alloc : memref<!tpu.dma_semaphore, #tpu.memory_space<semaphore_mem>>
        %dma_start3A_72 = arith.constant 0 : i32
        %dma_start3A_73 = arith.constant 0 : i32
        %dma_start3A_74 = tpu.memref_slice %arg6[%run_scoped3A, %dma_start3A_72, %dma_start3A_73] : memref<2x128x64xf32, #tpu.memory_space<vmem>> -> memref<1x128x64xf32, #tpu.memory_space<vmem>>
        %dma_start3A_75 = tpu.memref_squeeze %dma_start3A_74 : memref<1x128x64xf32, #tpu.memory_space<vmem>> -> memref<128x64xf32, #tpu.memory_space<vmem>>
        %dma_start3A_76 = arith.constant 0 : i32
        %dma_start3A_77 = tpu.memref_slice %arg4[%add3A_48, %dma_start3A_76] : memref<204800x64xf32, #tpu.memory_space<hbm>> -> memref<128x64xf32, #tpu.memory_space<hbm>>
        %dma_start3A_78 = arith.constant 0 : i32
        %dma_start3A_79 = tpu.memref_slice %arg4[%add3A_48, %dma_start3A_78] : memref<204800x64xf32, #tpu.memory_space<hbm>> -> memref<128x64xf32, #tpu.memory_space<hbm>>
        %dma_start3A_80 = arith.constant 0 : i32
        %dma_start3A_81 = arith.constant 0 : i32
        %dma_start3A_82 = tpu.memref_slice %arg6[%run_scoped3A, %dma_start3A_80, %dma_start3A_81] : memref<2x128x64xf32, #tpu.memory_space<vmem>> -> memref<1x128x64xf32, #tpu.memory_space<vmem>>
        %dma_start3A_83 = tpu.memref_squeeze %dma_start3A_82 : memref<1x128x64xf32, #tpu.memory_space<vmem>> -> memref<128x64xf32, #tpu.memory_space<vmem>>
        tpu.enqueue_dma source(%dma_start3A_83 : memref<128x64xf32, #tpu.memory_space<vmem>>) target(%dma_start3A_79 : memref<128x64xf32, #tpu.memory_space<hbm>>) target_semaphore(%run_scoped3A_71 : memref<!tpu.dma_semaphore, #tpu.memory_space<semaphore_mem>>)
        %dma_wait3A_84 = arith.constant 0 : i32
        %dma_wait3A_85 = arith.constant 0 : i32
        %dma_wait3A_86 = tpu.memref_slice %arg6[%run_scoped3A, %dma_wait3A_84, %dma_wait3A_85] : memref<2x128x64xf32, #tpu.memory_space<vmem>> -> memref<1x128x64xf32, #tpu.memory_space<vmem>>
        %dma_wait3A_87 = tpu.memref_squeeze %dma_wait3A_86 : memref<1x128x64xf32, #tpu.memory_space<vmem>> -> memref<128x64xf32, #tpu.memory_space<vmem>>
        %dma_wait3A_88 = arith.constant 0 : i32
        %dma_wait3A_89 = tpu.memref_slice %arg4[%add3A_48, %dma_wait3A_88] : memref<204800x64xf32, #tpu.memory_space<hbm>> -> memref<128x64xf32, #tpu.memory_space<hbm>>
        %dma_wait3A_90 = arith.constant 0 : i32
        %dma_wait3A_91 = tpu.memref_slice %arg4[%add3A_48, %dma_wait3A_90] : memref<204800x64xf32, #tpu.memory_space<hbm>> -> memref<128x64xf32, #tpu.memory_space<hbm>>
        %dma_wait3A_92 = arith.constant 0 : i32
        %dma_wait3A_93 = arith.constant 0 : i32
        %dma_wait3A_94 = tpu.memref_slice %arg6[%run_scoped3A, %dma_wait3A_92, %dma_wait3A_93] : memref<2x128x64xf32, #tpu.memory_space<vmem>> -> memref<1x128x64xf32, #tpu.memory_space<vmem>>
        %dma_wait3A_95 = tpu.memref_squeeze %dma_wait3A_94 : memref<1x128x64xf32, #tpu.memory_space<vmem>> -> memref<128x64xf32, #tpu.memory_space<vmem>>
        tpu.wait_dma2 semaphore(%run_scoped3A_71 : memref<!tpu.dma_semaphore, #tpu.memory_space<semaphore_mem>>) src(%dma_wait3A_95 : memref<128x64xf32, #tpu.memory_space<vmem>>) dst(%dma_wait3A_91 : memref<128x64xf32, #tpu.memory_space<hbm>>)
        tpu.yield
      }) : () -> ()
      %add3A_49 = arith.constant 1 : i32
      %add3A_50 = arith.addi %scan3A_18, %add3A_49 : i32
      %lt3A = arith.constant 25 : i32
      %lt3A_51 = arith.cmpi slt, %add3A_50, %lt3A : i32
      %convert_element_type3A = arith.extui %lt3A_51 : i1 to i32
      %cond3A = arith.constant 0 : i32
      %cond3A_52 = arith.cmpi ne, %convert_element_type3A, %cond3A : i32
      scf.if %cond3A_52 {
        %add3A_71 = arith.constant 2 : i32
        %add3A_72 = arith.addi %mul3A_21, %add3A_71 : i32
        %mul3A_73 = arith.constant 128 : i32
        %mul3A_74 = arith.muli %add3A_72, %mul3A_73 : i32
        %multiple_of3A_75 = tpu.assume_multiple %mul3A_74, 128 : i32
        %dma_start3A_76 = arith.constant 0 : i32
        %dma_start3A_77 = arith.constant 0 : i32
        %dma_start3A_78 = arith.constant 0 : i32
        %dma_start3A_79 = tpu.memref_slice %arg6[%dma_start3A_76, %dma_start3A_77, %dma_start3A_78] : memref<2x128x64xf32, #tpu.memory_space<vmem>> -> memref<1x128x64xf32, #tpu.memory_space<vmem>>
        %dma_start3A_80 = tpu.memref_squeeze %dma_start3A_79 : memref<1x128x64xf32, #tpu.memory_space<vmem>> -> memref<128x64xf32, #tpu.memory_space<vmem>>
        %dma_start3A_81 = tpu.memref_slice %arg5[%multiple_of3A_75] : memref<6400xi32, #tpu.memory_space<vmem>> -> memref<128xi32, #tpu.memory_space<vmem>>
        %dma_start3A_82 = arith.constant 0 : i32
        %dma_start3A_83 = arith.constant 0 : i32
        %dma_start3A_84 = tpu.memref_slice %arg2[%dma_start3A_82, %dma_start3A_83] : memref<1000000x64xf32, #tpu.memory_space<hbm>> -> memref<1000000x64xf32, #tpu.memory_space<hbm>>
        tpu.enqueue_indirect_dma source(%dma_start3A_84 : memref<1000000x64xf32, #tpu.memory_space<hbm>>) target(%dma_start3A_80 : memref<128x64xf32, #tpu.memory_space<vmem>>) offsets(%dma_start3A_81 : memref<128xi32, #tpu.memory_space<vmem>>) semaphore(%arg7 : memref<!tpu.dma_semaphore, #tpu.memory_space<semaphore_mem>>)
      } else {
      }
      %dma_wait3A_53 = arith.constant 1 : i32
      %dma_wait3A_54 = arith.constant 0 : i32
      %dma_wait3A_55 = arith.constant 0 : i32
      %dma_wait3A_56 = tpu.memref_slice %arg6[%dma_wait3A_53, %dma_wait3A_54, %dma_wait3A_55] : memref<2x128x64xf32, #tpu.memory_space<vmem>> -> memref<1x128x64xf32, #tpu.memory_space<vmem>>
      %dma_wait3A_57 = tpu.memref_squeeze %dma_wait3A_56 : memref<1x128x64xf32, #tpu.memory_space<vmem>> -> memref<128x64xf32, #tpu.memory_space<vmem>>
      %dma_wait3A_58 = arith.constant 0 : i32
      %dma_wait3A_59 = tpu.memref_slice %arg5[%dma_wait3A_58] : memref<6400xi32, #tpu.memory_space<vmem>> -> memref<128xi32, #tpu.memory_space<vmem>>
      %dma_wait3A_60 = arith.constant 0 : i32
      %dma_wait3A_61 = arith.constant 0 : i32
      %dma_wait3A_62 = tpu.memref_slice %arg2[%dma_wait3A_60, %dma_wait3A_61] : memref<1000000x64xf32, #tpu.memory_space<hbm>> -> memref<1000000x64xf32, #tpu.memory_space<hbm>>
      tpu.wait_indirect_dma semaphore(%arg8 : memref<!tpu.dma_semaphore, #tpu.memory_space<semaphore_mem>>) src(%dma_wait3A_62 : memref<1000000x64xf32, #tpu.memory_space<hbm>>) dst(%dma_wait3A_57 : memref<128x64xf32, #tpu.memory_space<vmem>>)
      %add3A_63 = arith.constant 1 : i32
      %add3A_64 = arith.addi %mul3A_21, %add3A_63 : i32
      %mul3A_65 = arith.constant 128 : i32
      %mul3A_66 = arith.muli %add3A_64, %mul3A_65 : i32
      %multiple_of3A_67 = tpu.assume_multiple %mul3A_66, 128 : i32
      %add3A_68 = arith.addi %mul3A_2, %multiple_of3A_67 : i32
      %run_scoped3A_69 = arith.constant 1 : i32
      "tpu.region"() ({
        %run_scoped3A_71 = tpu.sem_alloc : memref<!tpu.dma_semaphore, #tpu.memory_space<semaphore_mem>>
        %dma_start3A_72 = arith.constant 0 : i32
        %dma_start3A_73 = arith.constant 0 : i32
        %dma_start3A_74 = tpu.memref_slice %arg6[%run_scoped3A_69, %dma_start3A_72, %dma_start3A_73] : memref<2x128x64xf32, #tpu.memory_space<vmem>> -> memref<1x128x64xf32, #tpu.memory_space<vmem>>
        %dma_start3A_75 = tpu.memref_squeeze %dma_start3A_74 : memref<1x128x64xf32, #tpu.memory_space<vmem>> -> memref<128x64xf32, #tpu.memory_space<vmem>>
        %dma_start3A_76 = arith.constant 0 : i32
        %dma_start3A_77 = tpu.memref_slice %arg4[%add3A_68, %dma_start3A_76] : memref<204800x64xf32, #tpu.memory_space<hbm>> -> memref<128x64xf32, #tpu.memory_space<hbm>>
        %dma_start3A_78 = arith.constant 0 : i32
        %dma_start3A_79 = tpu.memref_slice %arg4[%add3A_68, %dma_start3A_78] : memref<204800x64xf32, #tpu.memory_space<hbm>> -> memref<128x64xf32, #tpu.memory_space<hbm>>
        %dma_start3A_80 = arith.constant 0 : i32
        %dma_start3A_81 = arith.constant 0 : i32
        %dma_start3A_82 = tpu.memref_slice %arg6[%run_scoped3A_69, %dma_start3A_80, %dma_start3A_81] : memref<2x128x64xf32, #tpu.memory_space<vmem>> -> memref<1x128x64xf32, #tpu.memory_space<vmem>>
        %dma_start3A_83 = tpu.memref_squeeze %dma_start3A_82 : memref<1x128x64xf32, #tpu.memory_space<vmem>> -> memref<128x64xf32, #tpu.memory_space<vmem>>
        tpu.enqueue_dma source(%dma_start3A_83 : memref<128x64xf32, #tpu.memory_space<vmem>>) target(%dma_start3A_79 : memref<128x64xf32, #tpu.memory_space<hbm>>) target_semaphore(%run_scoped3A_71 : memref<!tpu.dma_semaphore, #tpu.memory_space<semaphore_mem>>)
        %dma_wait3A_84 = arith.constant 0 : i32
        %dma_wait3A_85 = arith.constant 0 : i32
        %dma_wait3A_86 = tpu.memref_slice %arg6[%run_scoped3A_69, %dma_wait3A_84, %dma_wait3A_85] : memref<2x128x64xf32, #tpu.memory_space<vmem>> -> memref<1x128x64xf32, #tpu.memory_space<vmem>>
        %dma_wait3A_87 = tpu.memref_squeeze %dma_wait3A_86 : memref<1x128x64xf32, #tpu.memory_space<vmem>> -> memref<128x64xf32, #tpu.memory_space<vmem>>
        %dma_wait3A_88 = arith.constant 0 : i32
        %dma_wait3A_89 = tpu.memref_slice %arg4[%add3A_68, %dma_wait3A_88] : memref<204800x64xf32, #tpu.memory_space<hbm>> -> memref<128x64xf32, #tpu.memory_space<hbm>>
        %dma_wait3A_90 = arith.constant 0 : i32
        %dma_wait3A_91 = tpu.memref_slice %arg4[%add3A_68, %dma_wait3A_90] : memref<204800x64xf32, #tpu.memory_space<hbm>> -> memref<128x64xf32, #tpu.memory_space<hbm>>
        %dma_wait3A_92 = arith.constant 0 : i32
        %dma_wait3A_93 = arith.constant 0 : i32
        %dma_wait3A_94 = tpu.memref_slice %arg6[%run_scoped3A_69, %dma_wait3A_92, %dma_wait3A_93] : memref<2x128x64xf32, #tpu.memory_space<vmem>> -> memref<1x128x64xf32, #tpu.memory_space<vmem>>
        %dma_wait3A_95 = tpu.memref_squeeze %dma_wait3A_94 : memref<1x128x64xf32, #tpu.memory_space<vmem>> -> memref<128x64xf32, #tpu.memory_space<vmem>>
        tpu.wait_dma2 semaphore(%run_scoped3A_71 : memref<!tpu.dma_semaphore, #tpu.memory_space<semaphore_mem>>) src(%dma_wait3A_95 : memref<128x64xf32, #tpu.memory_space<vmem>>) dst(%dma_wait3A_91 : memref<128x64xf32, #tpu.memory_space<hbm>>)
        tpu.yield
      }) : () -> ()
      %scan3A_70 = arith.constant 0 : i32
      scf.yield %scan3A_70 : i32
    }
    %scan3A_17 = arith.constant 25 : i32
    return
  }
}

#map = affine_map<(d0, d1) -> (0, 0)>
#map1 = affine_map<(d0, d1) -> (0)>
module attributes {stable_mosaic.version = 14 : i64} {
  func.func @_sc_gather_body(%arg0: i32, %arg1: i32, %arg2: memref<1000000x64xf32, #tpu.memory_space<hbm>>, %arg3: memref<204800xi32, #tpu.memory_space<hbm>>, %arg4: memref<204800x64xf32, #tpu.memory_space<hbm>>, %arg5: memref<6400xi32, #tpu.memory_space<vmem>>, %arg6: memref<2x128x64xf32, #tpu.memory_space<vmem>>, %arg7: memref<!tpu.dma_semaphore, #tpu.memory_space<semaphore_mem>>, %arg8: memref<!tpu.dma_semaphore, #tpu.memory_space<semaphore_mem>>) attributes {dimension_semantics = [#tpu.dimension_semantics<core_parallel>, #tpu.dimension_semantics<subcore_parallel>], iteration_bounds = array<i64: 2, 16>, scalar_prefetch = 0 : i64, scratch_operands = 4 : i64, tpu.core_type = #tpu.core_type<sc_vector_subcore>, window_params = [{transform_indices = #map}, {transform_indices = #map1}, {transform_indices = #map}]} {
    %mul3A = arith.constant 2 : i32
    %mul3A_0 = arith.muli %arg1, %mul3A : i32
    %add3A = arith.addi %mul3A_0, %arg0 : i32
    %mul3A_1 = arith.constant 6400 : i32
    %mul3A_2 = arith.muli %add3A, %mul3A_1 : i32
    "tpu.region"() ({
      %run_scoped3A = tpu.sem_alloc : memref<!tpu.dma_semaphore, #tpu.memory_space<semaphore_mem>>
      %dma_start3A_18 = tpu.memref_slice %arg3[%mul3A_2] : memref<204800xi32, #tpu.memory_space<hbm>> -> memref<6400xi32, #tpu.memory_space<hbm>>
      %dma_start3A_19 = tpu.memref_slice %arg3[%mul3A_2] : memref<204800xi32, #tpu.memory_space<hbm>> -> memref<6400xi32, #tpu.memory_space<hbm>>
      tpu.enqueue_dma source(%dma_start3A_19 : memref<6400xi32, #tpu.memory_space<hbm>>) target(%arg5 : memref<6400xi32, #tpu.memory_space<vmem>>) target_semaphore(%run_scoped3A : memref<!tpu.dma_semaphore, #tpu.memory_space<semaphore_mem>>)
      %dma_wait3A = tpu.memref_slice %arg3[%mul3A_2] : memref<204800xi32, #tpu.memory_space<hbm>> -> memref<6400xi32, #tpu.memory_space<hbm>>
      %dma_wait3A_20 = tpu.memref_slice %arg3[%mul3A_2] : memref<204800xi32, #tpu.memory_space<hbm>> -> memref<6400xi32, #tpu.memory_space<hbm>>
      tpu.wait_dma2 semaphore(%run_scoped3A : memref<!tpu.dma_semaphore, #tpu.memory_space<semaphore_mem>>) src(%dma_wait3A_20 : memref<6400xi32, #tpu.memory_space<hbm>>) dst(%arg5 : memref<6400xi32, #tpu.memory_space<vmem>>)
      tpu.yield
    }) : () -> ()
    %multiple_of3A = arith.constant 0 : i32
    %multiple_of3A_3 = tpu.assume_multiple %multiple_of3A, 128 : i32
    %dma_start3A = arith.constant 0 : i32
    %dma_start3A_4 = arith.constant 0 : i32
    %dma_start3A_5 = arith.constant 0 : i32
    %dma_start3A_6 = tpu.memref_slice %arg6[%dma_start3A, %dma_start3A_4, %dma_start3A_5] : memref<2x128x64xf32, #tpu.memory_space<vmem>> -> memref<1x128x64xf32, #tpu.memory_space<vmem>>
    %dma_start3A_7 = tpu.memref_squeeze %dma_start3A_6 : memref<1x128x64xf32, #tpu.memory_space<vmem>> -> memref<128x64xf32, #tpu.memory_space<vmem>>
    %dma_start3A_8 = tpu.memref_slice %arg5[%multiple_of3A_3] : memref<6400xi32, #tpu.memory_space<vmem>> -> memref<128xi32, #tpu.memory_space<vmem>>
    %dma_start3A_9 = arith.constant 0 : i32
    %dma_start3A_10 = arith.constant 0 : i32
    %dma_start3A_11 = tpu.memref_slice %arg2[%dma_start3A_9, %dma_start3A_10] : memref<1000000x64xf32, #tpu.memory_space<hbm>> -> memref<1000000x64xf32, #tpu.memory_space<hbm>>
    tpu.enqueue_indirect_dma source(%dma_start3A_11 : memref<1000000x64xf32, #tpu.memory_space<hbm>>) target(%dma_start3A_7 : memref<128x64xf32, #tpu.memory_space<vmem>>) offsets(%dma_start3A_8 : memref<128xi32, #tpu.memory_space<vmem>>) semaphore(%arg7 : memref<!tpu.dma_semaphore, #tpu.memory_space<semaphore_mem>>)
    %scan3A = arith.constant 0 : i32
    %scan3A_12 = arith.constant 0 : i32
    %scan3A_13 = arith.constant 25 : i32
    %scan3A_14 = arith.addi %scan3A_12, %scan3A_13 : i32
    %scan3A_15 = arith.constant 1 : i32
    %scan3A_16 = scf.for %scan3A_18 = %scan3A_12 to %scan3A_14 step %scan3A_15 iter_args(%scan3A_19 = %scan3A) -> (i32)  : i32 {
      %mul3A_20 = arith.constant 2 : i32
      %mul3A_21 = arith.muli %scan3A_18, %mul3A_20 : i32
      %add3A_22 = arith.constant 1 : i32
      %add3A_23 = arith.addi %mul3A_21, %add3A_22 : i32
      %mul3A_24 = arith.constant 128 : i32
      %mul3A_25 = arith.muli %add3A_23, %mul3A_24 : i32
      %multiple_of3A_26 = tpu.assume_multiple %mul3A_25, 128 : i32
      %dma_start3A_27 = arith.constant 1 : i32
      %dma_start3A_28 = arith.constant 0 : i32
      %dma_start3A_29 = arith.constant 0 : i32
      %dma_start3A_30 = tpu.memref_slice %arg6[%dma_start3A_27, %dma_start3A_28, %dma_start3A_29] : memref<2x128x64xf32, #tpu.memory_space<vmem>> -> memref<1x128x64xf32, #tpu.memory_space<vmem>>
      %dma_start3A_31 = tpu.memref_squeeze %dma_start3A_30 : memref<1x128x64xf32, #tpu.memory_space<vmem>> -> memref<128x64xf32, #tpu.memory_space<vmem>>
      %dma_start3A_32 = tpu.memref_slice %arg5[%multiple_of3A_26] : memref<6400xi32, #tpu.memory_space<vmem>> -> memref<128xi32, #tpu.memory_space<vmem>>
      %dma_start3A_33 = arith.constant 0 : i32
      %dma_start3A_34 = arith.constant 0 : i32
      %dma_start3A_35 = tpu.memref_slice %arg2[%dma_start3A_33, %dma_start3A_34] : memref<1000000x64xf32, #tpu.memory_space<hbm>> -> memref<1000000x64xf32, #tpu.memory_space<hbm>>
      tpu.enqueue_indirect_dma source(%dma_start3A_35 : memref<1000000x64xf32, #tpu.memory_space<hbm>>) target(%dma_start3A_31 : memref<128x64xf32, #tpu.memory_space<vmem>>) offsets(%dma_start3A_32 : memref<128xi32, #tpu.memory_space<vmem>>) semaphore(%arg8 : memref<!tpu.dma_semaphore, #tpu.memory_space<semaphore_mem>>)
      %dma_wait3A = arith.constant 0 : i32
      %dma_wait3A_36 = arith.constant 0 : i32
      %dma_wait3A_37 = arith.constant 0 : i32
      %dma_wait3A_38 = tpu.memref_slice %arg6[%dma_wait3A, %dma_wait3A_36, %dma_wait3A_37] : memref<2x128x64xf32, #tpu.memory_space<vmem>> -> memref<1x128x64xf32, #tpu.memory_space<vmem>>
      %dma_wait3A_39 = tpu.memref_squeeze %dma_wait3A_38 : memref<1x128x64xf32, #tpu.memory_space<vmem>> -> memref<128x64xf32, #tpu.memory_space<vmem>>
      %dma_wait3A_40 = arith.constant 0 : i32
      %dma_wait3A_41 = tpu.memref_slice %arg5[%dma_wait3A_40] : memref<6400xi32, #tpu.memory_space<vmem>> -> memref<128xi32, #tpu.memory_space<vmem>>
      %dma_wait3A_42 = arith.constant 0 : i32
      %dma_wait3A_43 = arith.constant 0 : i32
      %dma_wait3A_44 = tpu.memref_slice %arg2[%dma_wait3A_42, %dma_wait3A_43] : memref<1000000x64xf32, #tpu.memory_space<hbm>> -> memref<1000000x64xf32, #tpu.memory_space<hbm>>
      tpu.wait_indirect_dma semaphore(%arg7 : memref<!tpu.dma_semaphore, #tpu.memory_space<semaphore_mem>>) src(%dma_wait3A_44 : memref<1000000x64xf32, #tpu.memory_space<hbm>>) dst(%dma_wait3A_39 : memref<128x64xf32, #tpu.memory_space<vmem>>)
      %mul3A_45 = arith.constant 128 : i32
      %mul3A_46 = arith.muli %mul3A_21, %mul3A_45 : i32
      %multiple_of3A_47 = tpu.assume_multiple %mul3A_46, 128 : i32
      %add3A_48 = arith.addi %mul3A_2, %multiple_of3A_47 : i32
      %run_scoped3A = arith.constant 0 : i32
      "tpu.region"() ({
        %run_scoped3A_71 = tpu.sem_alloc : memref<!tpu.dma_semaphore, #tpu.memory_space<semaphore_mem>>
        %dma_start3A_72 = arith.constant 0 : i32
        %dma_start3A_73 = arith.constant 0 : i32
        %dma_start3A_74 = tpu.memref_slice %arg6[%run_scoped3A, %dma_start3A_72, %dma_start3A_73] : memref<2x128x64xf32, #tpu.memory_space<vmem>> -> memref<1x128x64xf32, #tpu.memory_space<vmem>>
        %dma_start3A_75 = tpu.memref_squeeze %dma_start3A_74 : memref<1x128x64xf32, #tpu.memory_space<vmem>> -> memref<128x64xf32, #tpu.memory_space<vmem>>
        %dma_start3A_76 = arith.constant 0 : i32
        %dma_start3A_77 = tpu.memref_slice %arg4[%add3A_48, %dma_start3A_76] : memref<204800x64xf32, #tpu.memory_space<hbm>> -> memref<128x64xf32, #tpu.memory_space<hbm>>
        %dma_start3A_78 = arith.constant 0 : i32
        %dma_start3A_79 = tpu.memref_slice %arg4[%add3A_48, %dma_start3A_78] : memref<204800x64xf32, #tpu.memory_space<hbm>> -> memref<128x64xf32, #tpu.memory_space<hbm>>
        %dma_start3A_80 = arith.constant 0 : i32
        %dma_start3A_81 = arith.constant 0 : i32
        %dma_start3A_82 = tpu.memref_slice %arg6[%run_scoped3A, %dma_start3A_80, %dma_start3A_81] : memref<2x128x64xf32, #tpu.memory_space<vmem>> -> memref<1x128x64xf32, #tpu.memory_space<vmem>>
        %dma_start3A_83 = tpu.memref_squeeze %dma_start3A_82 : memref<1x128x64xf32, #tpu.memory_space<vmem>> -> memref<128x64xf32, #tpu.memory_space<vmem>>
        tpu.enqueue_dma source(%dma_start3A_83 : memref<128x64xf32, #tpu.memory_space<vmem>>) target(%dma_start3A_79 : memref<128x64xf32, #tpu.memory_space<hbm>>) target_semaphore(%run_scoped3A_71 : memref<!tpu.dma_semaphore, #tpu.memory_space<semaphore_mem>>)
        %dma_wait3A_84 = arith.constant 0 : i32
        %dma_wait3A_85 = arith.constant 0 : i32
        %dma_wait3A_86 = tpu.memref_slice %arg6[%run_scoped3A, %dma_wait3A_84, %dma_wait3A_85] : memref<2x128x64xf32, #tpu.memory_space<vmem>> -> memref<1x128x64xf32, #tpu.memory_space<vmem>>
        %dma_wait3A_87 = tpu.memref_squeeze %dma_wait3A_86 : memref<1x128x64xf32, #tpu.memory_space<vmem>> -> memref<128x64xf32, #tpu.memory_space<vmem>>
        %dma_wait3A_88 = arith.constant 0 : i32
        %dma_wait3A_89 = tpu.memref_slice %arg4[%add3A_48, %dma_wait3A_88] : memref<204800x64xf32, #tpu.memory_space<hbm>> -> memref<128x64xf32, #tpu.memory_space<hbm>>
        %dma_wait3A_90 = arith.constant 0 : i32
        %dma_wait3A_91 = tpu.memref_slice %arg4[%add3A_48, %dma_wait3A_90] : memref<204800x64xf32, #tpu.memory_space<hbm>> -> memref<128x64xf32, #tpu.memory_space<hbm>>
        %dma_wait3A_92 = arith.constant 0 : i32
        %dma_wait3A_93 = arith.constant 0 : i32
        %dma_wait3A_94 = tpu.memref_slice %arg6[%run_scoped3A, %dma_wait3A_92, %dma_wait3A_93] : memref<2x128x64xf32, #tpu.memory_space<vmem>> -> memref<1x128x64xf32, #tpu.memory_space<vmem>>
        %dma_wait3A_95 = tpu.memref_squeeze %dma_wait3A_94 : memref<1x128x64xf32, #tpu.memory_space<vmem>> -> memref<128x64xf32, #tpu.memory_space<vmem>>
        tpu.wait_dma2 semaphore(%run_scoped3A_71 : memref<!tpu.dma_semaphore, #tpu.memory_space<semaphore_mem>>) src(%dma_wait3A_95 : memref<128x64xf32, #tpu.memory_space<vmem>>) dst(%dma_wait3A_91 : memref<128x64xf32, #tpu.memory_space<hbm>>)
        tpu.yield
      }) : () -> ()
      %add3A_49 = arith.constant 1 : i32
      %add3A_50 = arith.addi %scan3A_18, %add3A_49 : i32
      %lt3A = arith.constant 25 : i32
      %lt3A_51 = arith.cmpi slt, %add3A_50, %lt3A : i32
      %convert_element_type3A = arith.extui %lt3A_51 : i1 to i32
      %cond3A = arith.constant 0 : i32
      %cond3A_52 = arith.cmpi ne, %convert_element_type3A, %cond3A : i32
      scf.if %cond3A_52 {
        %add3A_71 = arith.constant 2 : i32
        %add3A_72 = arith.addi %mul3A_21, %add3A_71 : i32
        %mul3A_73 = arith.constant 128 : i32
        %mul3A_74 = arith.muli %add3A_72, %mul3A_73 : i32
        %multiple_of3A_75 = tpu.assume_multiple %mul3A_74, 128 : i32
        %dma_start3A_76 = arith.constant 0 : i32
        %dma_start3A_77 = arith.constant 0 : i32
        %dma_start3A_78 = arith.constant 0 : i32
        %dma_start3A_79 = tpu.memref_slice %arg6[%dma_start3A_76, %dma_start3A_77, %dma_start3A_78] : memref<2x128x64xf32, #tpu.memory_space<vmem>> -> memref<1x128x64xf32, #tpu.memory_space<vmem>>
        %dma_start3A_80 = tpu.memref_squeeze %dma_start3A_79 : memref<1x128x64xf32, #tpu.memory_space<vmem>> -> memref<128x64xf32, #tpu.memory_space<vmem>>
        %dma_start3A_81 = tpu.memref_slice %arg5[%multiple_of3A_75] : memref<6400xi32, #tpu.memory_space<vmem>> -> memref<128xi32, #tpu.memory_space<vmem>>
        %dma_start3A_82 = arith.constant 0 : i32
        %dma_start3A_83 = arith.constant 0 : i32
        %dma_start3A_84 = tpu.memref_slice %arg2[%dma_start3A_82, %dma_start3A_83] : memref<1000000x64xf32, #tpu.memory_space<hbm>> -> memref<1000000x64xf32, #tpu.memory_space<hbm>>
        tpu.enqueue_indirect_dma source(%dma_start3A_84 : memref<1000000x64xf32, #tpu.memory_space<hbm>>) target(%dma_start3A_80 : memref<128x64xf32, #tpu.memory_space<vmem>>) offsets(%dma_start3A_81 : memref<128xi32, #tpu.memory_space<vmem>>) semaphore(%arg7 : memref<!tpu.dma_semaphore, #tpu.memory_space<semaphore_mem>>)
      } else {
      }
      %dma_wait3A_53 = arith.constant 1 : i32
      %dma_wait3A_54 = arith.constant 0 : i32
      %dma_wait3A_55 = arith.constant 0 : i32
      %dma_wait3A_56 = tpu.memref_slice %arg6[%dma_wait3A_53, %dma_wait3A_54, %dma_wait3A_55] : memref<2x128x64xf32, #tpu.memory_space<vmem>> -> memref<1x128x64xf32, #tpu.memory_space<vmem>>
      %dma_wait3A_57 = tpu.memref_squeeze %dma_wait3A_56 : memref<1x128x64xf32, #tpu.memory_space<vmem>> -> memref<128x64xf32, #tpu.memory_space<vmem>>
      %dma_wait3A_58 = arith.constant 0 : i32
      %dma_wait3A_59 = tpu.memref_slice %arg5[%dma_wait3A_58] : memref<6400xi32, #tpu.memory_space<vmem>> -> memref<128xi32, #tpu.memory_space<vmem>>
      %dma_wait3A_60 = arith.constant 0 : i32
      %dma_wait3A_61 = arith.constant 0 : i32
      %dma_wait3A_62 = tpu.memref_slice %arg2[%dma_wait3A_60, %dma_wait3A_61] : memref<1000000x64xf32, #tpu.memory_space<hbm>> -> memref<1000000x64xf32, #tpu.memory_space<hbm>>
      tpu.wait_indirect_dma semaphore(%arg8 : memref<!tpu.dma_semaphore, #tpu.memory_space<semaphore_mem>>) src(%dma_wait3A_62 : memref<1000000x64xf32, #tpu.memory_space<hbm>>) dst(%dma_wait3A_57 : memref<128x64xf32, #tpu.memory_space<vmem>>)
      %add3A_63 = arith.constant 1 : i32
      %add3A_64 = arith.addi %mul3A_21, %add3A_63 : i32
      %mul3A_65 = arith.constant 128 : i32
      %mul3A_66 = arith.muli %add3A_64, %mul3A_65 : i32
      %multiple_of3A_67 = tpu.assume_multiple %mul3A_66, 128 : i32
      %add3A_68 = arith.addi %mul3A_2, %multiple_of3A_67 : i32
      %run_scoped3A_69 = arith.constant 1 : i32
      "tpu.region"() ({
        %run_scoped3A_71 = tpu.sem_alloc : memref<!tpu.dma_semaphore, #tpu.memory_space<semaphore_mem>>
        %dma_start3A_72 = arith.constant 0 : i32
        %dma_start3A_73 = arith.constant 0 : i32
        %dma_start3A_74 = tpu.memref_slice %arg6[%run_scoped3A_69, %dma_start3A_72, %dma_start3A_73] : memref<2x128x64xf32, #tpu.memory_space<vmem>> -> memref<1x128x64xf32, #tpu.memory_space<vmem>>
        %dma_start3A_75 = tpu.memref_squeeze %dma_start3A_74 : memref<1x128x64xf32, #tpu.memory_space<vmem>> -> memref<128x64xf32, #tpu.memory_space<vmem>>
        %dma_start3A_76 = arith.constant 0 : i32
        %dma_start3A_77 = tpu.memref_slice %arg4[%add3A_68, %dma_start3A_76] : memref<204800x64xf32, #tpu.memory_space<hbm>> -> memref<128x64xf32, #tpu.memory_space<hbm>>
        %dma_start3A_78 = arith.constant 0 : i32
        %dma_start3A_79 = tpu.memref_slice %arg4[%add3A_68, %dma_start3A_78] : memref<204800x64xf32, #tpu.memory_space<hbm>> -> memref<128x64xf32, #tpu.memory_space<hbm>>
        %dma_start3A_80 = arith.constant 0 : i32
        %dma_start3A_81 = arith.constant 0 : i32
        %dma_start3A_82 = tpu.memref_slice %arg6[%run_scoped3A_69, %dma_start3A_80, %dma_start3A_81] : memref<2x128x64xf32, #tpu.memory_space<vmem>> -> memref<1x128x64xf32, #tpu.memory_space<vmem>>
        %dma_start3A_83 = tpu.memref_squeeze %dma_start3A_82 : memref<1x128x64xf32, #tpu.memory_space<vmem>> -> memref<128x64xf32, #tpu.memory_space<vmem>>
        tpu.enqueue_dma source(%dma_start3A_83 : memref<128x64xf32, #tpu.memory_space<vmem>>) target(%dma_start3A_79 : memref<128x64xf32, #tpu.memory_space<hbm>>) target_semaphore(%run_scoped3A_71 : memref<!tpu.dma_semaphore, #tpu.memory_space<semaphore_mem>>)
        %dma_wait3A_84 = arith.constant 0 : i32
        %dma_wait3A_85 = arith.constant 0 : i32
        %dma_wait3A_86 = tpu.memref_slice %arg6[%run_scoped3A_69, %dma_wait3A_84, %dma_wait3A_85] : memref<2x128x64xf32, #tpu.memory_space<vmem>> -> memref<1x128x64xf32, #tpu.memory_space<vmem>>
        %dma_wait3A_87 = tpu.memref_squeeze %dma_wait3A_86 : memref<1x128x64xf32, #tpu.memory_space<vmem>> -> memref<128x64xf32, #tpu.memory_space<vmem>>
        %dma_wait3A_88 = arith.constant 0 : i32
        %dma_wait3A_89 = tpu.memref_slice %arg4[%add3A_68, %dma_wait3A_88] : memref<204800x64xf32, #tpu.memory_space<hbm>> -> memref<128x64xf32, #tpu.memory_space<hbm>>
        %dma_wait3A_90 = arith.constant 0 : i32
        %dma_wait3A_91 = tpu.memref_slice %arg4[%add3A_68, %dma_wait3A_90] : memref<204800x64xf32, #tpu.memory_space<hbm>> -> memref<128x64xf32, #tpu.memory_space<hbm>>
        %dma_wait3A_92 = arith.constant 0 : i32
        %dma_wait3A_93 = arith.constant 0 : i32
        %dma_wait3A_94 = tpu.memref_slice %arg6[%run_scoped3A_69, %dma_wait3A_92, %dma_wait3A_93] : memref<2x128x64xf32, #tpu.memory_space<vmem>> -> memref<1x128x64xf32, #tpu.memory_space<vmem>>
        %dma_wait3A_95 = tpu.memref_squeeze %dma_wait3A_94 : memref<1x128x64xf32, #tpu.memory_space<vmem>> -> memref<128x64xf32, #tpu.memory_space<vmem>>
        tpu.wait_dma2 semaphore(%run_scoped3A_71 : memref<!tpu.dma_semaphore, #tpu.memory_space<semaphore_mem>>) src(%dma_wait3A_95 : memref<128x64xf32, #tpu.memory_space<vmem>>) dst(%dma_wait3A_91 : memref<128x64xf32, #tpu.memory_space<hbm>>)
        tpu.yield
      }) : () -> ()
      %scan3A_70 = arith.constant 0 : i32
      scf.yield %scan3A_70 : i32
    }
    %scan3A_17 = arith.constant 25 : i32
    return
  }
}

#map = affine_map<(d0, d1) -> (0, 0)>
#map1 = affine_map<(d0, d1) -> (0)>
module attributes {stable_mosaic.version = 14 : i64} {
  func.func @_sc_gather_body(%arg0: i32, %arg1: i32, %arg2: memref<1000000x64xf32, #tpu.memory_space<hbm>>, %arg3: memref<204800xi32, #tpu.memory_space<hbm>>, %arg4: memref<204800x64xf32, #tpu.memory_space<hbm>>, %arg5: memref<6400xi32, #tpu.memory_space<vmem>>, %arg6: memref<2x128x64xf32, #tpu.memory_space<vmem>>, %arg7: memref<!tpu.dma_semaphore, #tpu.memory_space<semaphore_mem>>, %arg8: memref<!tpu.dma_semaphore, #tpu.memory_space<semaphore_mem>>) attributes {dimension_semantics = [#tpu.dimension_semantics<core_parallel>, #tpu.dimension_semantics<subcore_parallel>], iteration_bounds = array<i64: 2, 16>, scalar_prefetch = 0 : i64, scratch_operands = 4 : i64, tpu.core_type = #tpu.core_type<sc_vector_subcore>, window_params = [{transform_indices = #map}, {transform_indices = #map1}, {transform_indices = #map}]} {
    %mul3A = arith.constant 2 : i32
    %mul3A_0 = arith.muli %arg1, %mul3A : i32
    %add3A = arith.addi %mul3A_0, %arg0 : i32
    %mul3A_1 = arith.constant 6400 : i32
    %mul3A_2 = arith.muli %add3A, %mul3A_1 : i32
    "tpu.region"() ({
      %run_scoped3A = tpu.sem_alloc : memref<!tpu.dma_semaphore, #tpu.memory_space<semaphore_mem>>
      %dma_start3A_18 = tpu.memref_slice %arg3[%mul3A_2] : memref<204800xi32, #tpu.memory_space<hbm>> -> memref<6400xi32, #tpu.memory_space<hbm>>
      %dma_start3A_19 = tpu.memref_slice %arg3[%mul3A_2] : memref<204800xi32, #tpu.memory_space<hbm>> -> memref<6400xi32, #tpu.memory_space<hbm>>
      tpu.enqueue_dma source(%dma_start3A_19 : memref<6400xi32, #tpu.memory_space<hbm>>) target(%arg5 : memref<6400xi32, #tpu.memory_space<vmem>>) target_semaphore(%run_scoped3A : memref<!tpu.dma_semaphore, #tpu.memory_space<semaphore_mem>>)
      %dma_wait3A = tpu.memref_slice %arg3[%mul3A_2] : memref<204800xi32, #tpu.memory_space<hbm>> -> memref<6400xi32, #tpu.memory_space<hbm>>
      %dma_wait3A_20 = tpu.memref_slice %arg3[%mul3A_2] : memref<204800xi32, #tpu.memory_space<hbm>> -> memref<6400xi32, #tpu.memory_space<hbm>>
      tpu.wait_dma2 semaphore(%run_scoped3A : memref<!tpu.dma_semaphore, #tpu.memory_space<semaphore_mem>>) src(%dma_wait3A_20 : memref<6400xi32, #tpu.memory_space<hbm>>) dst(%arg5 : memref<6400xi32, #tpu.memory_space<vmem>>)
      tpu.yield
    }) : () -> ()
    %multiple_of3A = arith.constant 0 : i32
    %multiple_of3A_3 = tpu.assume_multiple %multiple_of3A, 128 : i32
    %dma_start3A = arith.constant 0 : i32
    %dma_start3A_4 = arith.constant 0 : i32
    %dma_start3A_5 = arith.constant 0 : i32
    %dma_start3A_6 = tpu.memref_slice %arg6[%dma_start3A, %dma_start3A_4, %dma_start3A_5] : memref<2x128x64xf32, #tpu.memory_space<vmem>> -> memref<1x128x64xf32, #tpu.memory_space<vmem>>
    %dma_start3A_7 = tpu.memref_squeeze %dma_start3A_6 : memref<1x128x64xf32, #tpu.memory_space<vmem>> -> memref<128x64xf32, #tpu.memory_space<vmem>>
    %dma_start3A_8 = tpu.memref_slice %arg5[%multiple_of3A_3] : memref<6400xi32, #tpu.memory_space<vmem>> -> memref<128xi32, #tpu.memory_space<vmem>>
    %dma_start3A_9 = arith.constant 0 : i32
    %dma_start3A_10 = arith.constant 0 : i32
    %dma_start3A_11 = tpu.memref_slice %arg2[%dma_start3A_9, %dma_start3A_10] : memref<1000000x64xf32, #tpu.memory_space<hbm>> -> memref<1000000x64xf32, #tpu.memory_space<hbm>>
    tpu.enqueue_indirect_dma source(%dma_start3A_11 : memref<1000000x64xf32, #tpu.memory_space<hbm>>) target(%dma_start3A_7 : memref<128x64xf32, #tpu.memory_space<vmem>>) offsets(%dma_start3A_8 : memref<128xi32, #tpu.memory_space<vmem>>) semaphore(%arg7 : memref<!tpu.dma_semaphore, #tpu.memory_space<semaphore_mem>>)
    %scan3A = arith.constant 0 : i32
    %scan3A_12 = arith.constant 0 : i32
    %scan3A_13 = arith.constant 25 : i32
    %scan3A_14 = arith.addi %scan3A_12, %scan3A_13 : i32
    %scan3A_15 = arith.constant 1 : i32
    %scan3A_16 = scf.for %scan3A_18 = %scan3A_12 to %scan3A_14 step %scan3A_15 iter_args(%scan3A_19 = %scan3A) -> (i32)  : i32 {
      %mul3A_20 = arith.constant 2 : i32
      %mul3A_21 = arith.muli %scan3A_18, %mul3A_20 : i32
      %add3A_22 = arith.constant 1 : i32
      %add3A_23 = arith.addi %mul3A_21, %add3A_22 : i32
      %mul3A_24 = arith.constant 128 : i32
      %mul3A_25 = arith.muli %add3A_23, %mul3A_24 : i32
      %multiple_of3A_26 = tpu.assume_multiple %mul3A_25, 128 : i32
      %dma_start3A_27 = arith.constant 1 : i32
      %dma_start3A_28 = arith.constant 0 : i32
      %dma_start3A_29 = arith.constant 0 : i32
      %dma_start3A_30 = tpu.memref_slice %arg6[%dma_start3A_27, %dma_start3A_28, %dma_start3A_29] : memref<2x128x64xf32, #tpu.memory_space<vmem>> -> memref<1x128x64xf32, #tpu.memory_space<vmem>>
      %dma_start3A_31 = tpu.memref_squeeze %dma_start3A_30 : memref<1x128x64xf32, #tpu.memory_space<vmem>> -> memref<128x64xf32, #tpu.memory_space<vmem>>
      %dma_start3A_32 = tpu.memref_slice %arg5[%multiple_of3A_26] : memref<6400xi32, #tpu.memory_space<vmem>> -> memref<128xi32, #tpu.memory_space<vmem>>
      %dma_start3A_33 = arith.constant 0 : i32
      %dma_start3A_34 = arith.constant 0 : i32
      %dma_start3A_35 = tpu.memref_slice %arg2[%dma_start3A_33, %dma_start3A_34] : memref<1000000x64xf32, #tpu.memory_space<hbm>> -> memref<1000000x64xf32, #tpu.memory_space<hbm>>
      tpu.enqueue_indirect_dma source(%dma_start3A_35 : memref<1000000x64xf32, #tpu.memory_space<hbm>>) target(%dma_start3A_31 : memref<128x64xf32, #tpu.memory_space<vmem>>) offsets(%dma_start3A_32 : memref<128xi32, #tpu.memory_space<vmem>>) semaphore(%arg8 : memref<!tpu.dma_semaphore, #tpu.memory_space<semaphore_mem>>)
      %dma_wait3A = arith.constant 0 : i32
      %dma_wait3A_36 = arith.constant 0 : i32
      %dma_wait3A_37 = arith.constant 0 : i32
      %dma_wait3A_38 = tpu.memref_slice %arg6[%dma_wait3A, %dma_wait3A_36, %dma_wait3A_37] : memref<2x128x64xf32, #tpu.memory_space<vmem>> -> memref<1x128x64xf32, #tpu.memory_space<vmem>>
      %dma_wait3A_39 = tpu.memref_squeeze %dma_wait3A_38 : memref<1x128x64xf32, #tpu.memory_space<vmem>> -> memref<128x64xf32, #tpu.memory_space<vmem>>
      %dma_wait3A_40 = arith.constant 0 : i32
      %dma_wait3A_41 = tpu.memref_slice %arg5[%dma_wait3A_40] : memref<6400xi32, #tpu.memory_space<vmem>> -> memref<128xi32, #tpu.memory_space<vmem>>
      %dma_wait3A_42 = arith.constant 0 : i32
      %dma_wait3A_43 = arith.constant 0 : i32
      %dma_wait3A_44 = tpu.memref_slice %arg2[%dma_wait3A_42, %dma_wait3A_43] : memref<1000000x64xf32, #tpu.memory_space<hbm>> -> memref<1000000x64xf32, #tpu.memory_space<hbm>>
      tpu.wait_indirect_dma semaphore(%arg7 : memref<!tpu.dma_semaphore, #tpu.memory_space<semaphore_mem>>) src(%dma_wait3A_44 : memref<1000000x64xf32, #tpu.memory_space<hbm>>) dst(%dma_wait3A_39 : memref<128x64xf32, #tpu.memory_space<vmem>>)
      %mul3A_45 = arith.constant 128 : i32
      %mul3A_46 = arith.muli %mul3A_21, %mul3A_45 : i32
      %multiple_of3A_47 = tpu.assume_multiple %mul3A_46, 128 : i32
      %add3A_48 = arith.addi %mul3A_2, %multiple_of3A_47 : i32
      %run_scoped3A = arith.constant 0 : i32
      "tpu.region"() ({
        %run_scoped3A_71 = tpu.sem_alloc : memref<!tpu.dma_semaphore, #tpu.memory_space<semaphore_mem>>
        %dma_start3A_72 = arith.constant 0 : i32
        %dma_start3A_73 = arith.constant 0 : i32
        %dma_start3A_74 = tpu.memref_slice %arg6[%run_scoped3A, %dma_start3A_72, %dma_start3A_73] : memref<2x128x64xf32, #tpu.memory_space<vmem>> -> memref<1x128x64xf32, #tpu.memory_space<vmem>>
        %dma_start3A_75 = tpu.memref_squeeze %dma_start3A_74 : memref<1x128x64xf32, #tpu.memory_space<vmem>> -> memref<128x64xf32, #tpu.memory_space<vmem>>
        %dma_start3A_76 = arith.constant 0 : i32
        %dma_start3A_77 = tpu.memref_slice %arg4[%add3A_48, %dma_start3A_76] : memref<204800x64xf32, #tpu.memory_space<hbm>> -> memref<128x64xf32, #tpu.memory_space<hbm>>
        %dma_start3A_78 = arith.constant 0 : i32
        %dma_start3A_79 = tpu.memref_slice %arg4[%add3A_48, %dma_start3A_78] : memref<204800x64xf32, #tpu.memory_space<hbm>> -> memref<128x64xf32, #tpu.memory_space<hbm>>
        %dma_start3A_80 = arith.constant 0 : i32
        %dma_start3A_81 = arith.constant 0 : i32
        %dma_start3A_82 = tpu.memref_slice %arg6[%run_scoped3A, %dma_start3A_80, %dma_start3A_81] : memref<2x128x64xf32, #tpu.memory_space<vmem>> -> memref<1x128x64xf32, #tpu.memory_space<vmem>>
        %dma_start3A_83 = tpu.memref_squeeze %dma_start3A_82 : memref<1x128x64xf32, #tpu.memory_space<vmem>> -> memref<128x64xf32, #tpu.memory_space<vmem>>
        tpu.enqueue_dma source(%dma_start3A_83 : memref<128x64xf32, #tpu.memory_space<vmem>>) target(%dma_start3A_79 : memref<128x64xf32, #tpu.memory_space<hbm>>) target_semaphore(%run_scoped3A_71 : memref<!tpu.dma_semaphore, #tpu.memory_space<semaphore_mem>>)
        %dma_wait3A_84 = arith.constant 0 : i32
        %dma_wait3A_85 = arith.constant 0 : i32
        %dma_wait3A_86 = tpu.memref_slice %arg6[%run_scoped3A, %dma_wait3A_84, %dma_wait3A_85] : memref<2x128x64xf32, #tpu.memory_space<vmem>> -> memref<1x128x64xf32, #tpu.memory_space<vmem>>
        %dma_wait3A_87 = tpu.memref_squeeze %dma_wait3A_86 : memref<1x128x64xf32, #tpu.memory_space<vmem>> -> memref<128x64xf32, #tpu.memory_space<vmem>>
        %dma_wait3A_88 = arith.constant 0 : i32
        %dma_wait3A_89 = tpu.memref_slice %arg4[%add3A_48, %dma_wait3A_88] : memref<204800x64xf32, #tpu.memory_space<hbm>> -> memref<128x64xf32, #tpu.memory_space<hbm>>
        %dma_wait3A_90 = arith.constant 0 : i32
        %dma_wait3A_91 = tpu.memref_slice %arg4[%add3A_48, %dma_wait3A_90] : memref<204800x64xf32, #tpu.memory_space<hbm>> -> memref<128x64xf32, #tpu.memory_space<hbm>>
        %dma_wait3A_92 = arith.constant 0 : i32
        %dma_wait3A_93 = arith.constant 0 : i32
        %dma_wait3A_94 = tpu.memref_slice %arg6[%run_scoped3A, %dma_wait3A_92, %dma_wait3A_93] : memref<2x128x64xf32, #tpu.memory_space<vmem>> -> memref<1x128x64xf32, #tpu.memory_space<vmem>>
        %dma_wait3A_95 = tpu.memref_squeeze %dma_wait3A_94 : memref<1x128x64xf32, #tpu.memory_space<vmem>> -> memref<128x64xf32, #tpu.memory_space<vmem>>
        tpu.wait_dma2 semaphore(%run_scoped3A_71 : memref<!tpu.dma_semaphore, #tpu.memory_space<semaphore_mem>>) src(%dma_wait3A_95 : memref<128x64xf32, #tpu.memory_space<vmem>>) dst(%dma_wait3A_91 : memref<128x64xf32, #tpu.memory_space<hbm>>)
        tpu.yield
      }) : () -> ()
      %add3A_49 = arith.constant 1 : i32
      %add3A_50 = arith.addi %scan3A_18, %add3A_49 : i32
      %lt3A = arith.constant 25 : i32
      %lt3A_51 = arith.cmpi slt, %add3A_50, %lt3A : i32
      %convert_element_type3A = arith.extui %lt3A_51 : i1 to i32
      %cond3A = arith.constant 0 : i32
      %cond3A_52 = arith.cmpi ne, %convert_element_type3A, %cond3A : i32
      scf.if %cond3A_52 {
        %add3A_71 = arith.constant 2 : i32
        %add3A_72 = arith.addi %mul3A_21, %add3A_71 : i32
        %mul3A_73 = arith.constant 128 : i32
        %mul3A_74 = arith.muli %add3A_72, %mul3A_73 : i32
        %multiple_of3A_75 = tpu.assume_multiple %mul3A_74, 128 : i32
        %dma_start3A_76 = arith.constant 0 : i32
        %dma_start3A_77 = arith.constant 0 : i32
        %dma_start3A_78 = arith.constant 0 : i32
        %dma_start3A_79 = tpu.memref_slice %arg6[%dma_start3A_76, %dma_start3A_77, %dma_start3A_78] : memref<2x128x64xf32, #tpu.memory_space<vmem>> -> memref<1x128x64xf32, #tpu.memory_space<vmem>>
        %dma_start3A_80 = tpu.memref_squeeze %dma_start3A_79 : memref<1x128x64xf32, #tpu.memory_space<vmem>> -> memref<128x64xf32, #tpu.memory_space<vmem>>
        %dma_start3A_81 = tpu.memref_slice %arg5[%multiple_of3A_75] : memref<6400xi32, #tpu.memory_space<vmem>> -> memref<128xi32, #tpu.memory_space<vmem>>
        %dma_start3A_82 = arith.constant 0 : i32
        %dma_start3A_83 = arith.constant 0 : i32
        %dma_start3A_84 = tpu.memref_slice %arg2[%dma_start3A_82, %dma_start3A_83] : memref<1000000x64xf32, #tpu.memory_space<hbm>> -> memref<1000000x64xf32, #tpu.memory_space<hbm>>
        tpu.enqueue_indirect_dma source(%dma_start3A_84 : memref<1000000x64xf32, #tpu.memory_space<hbm>>) target(%dma_start3A_80 : memref<128x64xf32, #tpu.memory_space<vmem>>) offsets(%dma_start3A_81 : memref<128xi32, #tpu.memory_space<vmem>>) semaphore(%arg7 : memref<!tpu.dma_semaphore, #tpu.memory_space<semaphore_mem>>)
      } else {
      }
      %dma_wait3A_53 = arith.constant 1 : i32
      %dma_wait3A_54 = arith.constant 0 : i32
      %dma_wait3A_55 = arith.constant 0 : i32
      %dma_wait3A_56 = tpu.memref_slice %arg6[%dma_wait3A_53, %dma_wait3A_54, %dma_wait3A_55] : memref<2x128x64xf32, #tpu.memory_space<vmem>> -> memref<1x128x64xf32, #tpu.memory_space<vmem>>
      %dma_wait3A_57 = tpu.memref_squeeze %dma_wait3A_56 : memref<1x128x64xf32, #tpu.memory_space<vmem>> -> memref<128x64xf32, #tpu.memory_space<vmem>>
      %dma_wait3A_58 = arith.constant 0 : i32
      %dma_wait3A_59 = tpu.memref_slice %arg5[%dma_wait3A_58] : memref<6400xi32, #tpu.memory_space<vmem>> -> memref<128xi32, #tpu.memory_space<vmem>>
      %dma_wait3A_60 = arith.constant 0 : i32
      %dma_wait3A_61 = arith.constant 0 : i32
      %dma_wait3A_62 = tpu.memref_slice %arg2[%dma_wait3A_60, %dma_wait3A_61] : memref<1000000x64xf32, #tpu.memory_space<hbm>> -> memref<1000000x64xf32, #tpu.memory_space<hbm>>
      tpu.wait_indirect_dma semaphore(%arg8 : memref<!tpu.dma_semaphore, #tpu.memory_space<semaphore_mem>>) src(%dma_wait3A_62 : memref<1000000x64xf32, #tpu.memory_space<hbm>>) dst(%dma_wait3A_57 : memref<128x64xf32, #tpu.memory_space<vmem>>)
      %add3A_63 = arith.constant 1 : i32
      %add3A_64 = arith.addi %mul3A_21, %add3A_63 : i32
      %mul3A_65 = arith.constant 128 : i32
      %mul3A_66 = arith.muli %add3A_64, %mul3A_65 : i32
      %multiple_of3A_67 = tpu.assume_multiple %mul3A_66, 128 : i32
      %add3A_68 = arith.addi %mul3A_2, %multiple_of3A_67 : i32
      %run_scoped3A_69 = arith.constant 1 : i32
      "tpu.region"() ({
        %run_scoped3A_71 = tpu.sem_alloc : memref<!tpu.dma_semaphore, #tpu.memory_space<semaphore_mem>>
        %dma_start3A_72 = arith.constant 0 : i32
        %dma_start3A_73 = arith.constant 0 : i32
        %dma_start3A_74 = tpu.memref_slice %arg6[%run_scoped3A_69, %dma_start3A_72, %dma_start3A_73] : memref<2x128x64xf32, #tpu.memory_space<vmem>> -> memref<1x128x64xf32, #tpu.memory_space<vmem>>
        %dma_start3A_75 = tpu.memref_squeeze %dma_start3A_74 : memref<1x128x64xf32, #tpu.memory_space<vmem>> -> memref<128x64xf32, #tpu.memory_space<vmem>>
        %dma_start3A_76 = arith.constant 0 : i32
        %dma_start3A_77 = tpu.memref_slice %arg4[%add3A_68, %dma_start3A_76] : memref<204800x64xf32, #tpu.memory_space<hbm>> -> memref<128x64xf32, #tpu.memory_space<hbm>>
        %dma_start3A_78 = arith.constant 0 : i32
        %dma_start3A_79 = tpu.memref_slice %arg4[%add3A_68, %dma_start3A_78] : memref<204800x64xf32, #tpu.memory_space<hbm>> -> memref<128x64xf32, #tpu.memory_space<hbm>>
        %dma_start3A_80 = arith.constant 0 : i32
        %dma_start3A_81 = arith.constant 0 : i32
        %dma_start3A_82 = tpu.memref_slice %arg6[%run_scoped3A_69, %dma_start3A_80, %dma_start3A_81] : memref<2x128x64xf32, #tpu.memory_space<vmem>> -> memref<1x128x64xf32, #tpu.memory_space<vmem>>
        %dma_start3A_83 = tpu.memref_squeeze %dma_start3A_82 : memref<1x128x64xf32, #tpu.memory_space<vmem>> -> memref<128x64xf32, #tpu.memory_space<vmem>>
        tpu.enqueue_dma source(%dma_start3A_83 : memref<128x64xf32, #tpu.memory_space<vmem>>) target(%dma_start3A_79 : memref<128x64xf32, #tpu.memory_space<hbm>>) target_semaphore(%run_scoped3A_71 : memref<!tpu.dma_semaphore, #tpu.memory_space<semaphore_mem>>)
        %dma_wait3A_84 = arith.constant 0 : i32
        %dma_wait3A_85 = arith.constant 0 : i32
        %dma_wait3A_86 = tpu.memref_slice %arg6[%run_scoped3A_69, %dma_wait3A_84, %dma_wait3A_85] : memref<2x128x64xf32, #tpu.memory_space<vmem>> -> memref<1x128x64xf32, #tpu.memory_space<vmem>>
        %dma_wait3A_87 = tpu.memref_squeeze %dma_wait3A_86 : memref<1x128x64xf32, #tpu.memory_space<vmem>> -> memref<128x64xf32, #tpu.memory_space<vmem>>
        %dma_wait3A_88 = arith.constant 0 : i32
        %dma_wait3A_89 = tpu.memref_slice %arg4[%add3A_68, %dma_wait3A_88] : memref<204800x64xf32, #tpu.memory_space<hbm>> -> memref<128x64xf32, #tpu.memory_space<hbm>>
        %dma_wait3A_90 = arith.constant 0 : i32
        %dma_wait3A_91 = tpu.memref_slice %arg4[%add3A_68, %dma_wait3A_90] : memref<204800x64xf32, #tpu.memory_space<hbm>> -> memref<128x64xf32, #tpu.memory_space<hbm>>
        %dma_wait3A_92 = arith.constant 0 : i32
        %dma_wait3A_93 = arith.constant 0 : i32
        %dma_wait3A_94 = tpu.memref_slice %arg6[%run_scoped3A_69, %dma_wait3A_92, %dma_wait3A_93] : memref<2x128x64xf32, #tpu.memory_space<vmem>> -> memref<1x128x64xf32, #tpu.memory_space<vmem>>
        %dma_wait3A_95 = tpu.memref_squeeze %dma_wait3A_94 : memref<1x128x64xf32, #tpu.memory_space<vmem>> -> memref<128x64xf32, #tpu.memory_space<vmem>>
        tpu.wait_dma2 semaphore(%run_scoped3A_71 : memref<!tpu.dma_semaphore, #tpu.memory_space<semaphore_mem>>) src(%dma_wait3A_95 : memref<128x64xf32, #tpu.memory_space<vmem>>) dst(%dma_wait3A_91 : memref<128x64xf32, #tpu.memory_space<hbm>>)
        tpu.yield
      }) : () -> ()
      %scan3A_70 = arith.constant 0 : i32
      scf.yield %scan3A_70 : i32
    }
    %scan3A_17 = arith.constant 25 : i32
    return
  }
}

#map = affine_map<(d0, d1) -> (0, 0)>
#map1 = affine_map<(d0, d1) -> (0)>
module attributes {stable_mosaic.version = 14 : i64} {
  func.func @_sc_gather_body(%arg0: i32, %arg1: i32, %arg2: memref<1000000x64xf32, #tpu.memory_space<hbm>>, %arg3: memref<204800xi32, #tpu.memory_space<hbm>>, %arg4: memref<204800x64xf32, #tpu.memory_space<hbm>>, %arg5: memref<6400xi32, #tpu.memory_space<vmem>>, %arg6: memref<2x128x64xf32, #tpu.memory_space<vmem>>, %arg7: memref<!tpu.dma_semaphore, #tpu.memory_space<semaphore_mem>>, %arg8: memref<!tpu.dma_semaphore, #tpu.memory_space<semaphore_mem>>) attributes {dimension_semantics = [#tpu.dimension_semantics<core_parallel>, #tpu.dimension_semantics<subcore_parallel>], iteration_bounds = array<i64: 2, 16>, scalar_prefetch = 0 : i64, scratch_operands = 4 : i64, tpu.core_type = #tpu.core_type<sc_vector_subcore>, window_params = [{transform_indices = #map}, {transform_indices = #map1}, {transform_indices = #map}]} {
    %mul3A = arith.constant 2 : i32
    %mul3A_0 = arith.muli %arg1, %mul3A : i32
    %add3A = arith.addi %mul3A_0, %arg0 : i32
    %mul3A_1 = arith.constant 6400 : i32
    %mul3A_2 = arith.muli %add3A, %mul3A_1 : i32
    "tpu.region"() ({
      %run_scoped3A = tpu.sem_alloc : memref<!tpu.dma_semaphore, #tpu.memory_space<semaphore_mem>>
      %dma_start3A_18 = tpu.memref_slice %arg3[%mul3A_2] : memref<204800xi32, #tpu.memory_space<hbm>> -> memref<6400xi32, #tpu.memory_space<hbm>>
      %dma_start3A_19 = tpu.memref_slice %arg3[%mul3A_2] : memref<204800xi32, #tpu.memory_space<hbm>> -> memref<6400xi32, #tpu.memory_space<hbm>>
      tpu.enqueue_dma source(%dma_start3A_19 : memref<6400xi32, #tpu.memory_space<hbm>>) target(%arg5 : memref<6400xi32, #tpu.memory_space<vmem>>) target_semaphore(%run_scoped3A : memref<!tpu.dma_semaphore, #tpu.memory_space<semaphore_mem>>)
      %dma_wait3A = tpu.memref_slice %arg3[%mul3A_2] : memref<204800xi32, #tpu.memory_space<hbm>> -> memref<6400xi32, #tpu.memory_space<hbm>>
      %dma_wait3A_20 = tpu.memref_slice %arg3[%mul3A_2] : memref<204800xi32, #tpu.memory_space<hbm>> -> memref<6400xi32, #tpu.memory_space<hbm>>
      tpu.wait_dma2 semaphore(%run_scoped3A : memref<!tpu.dma_semaphore, #tpu.memory_space<semaphore_mem>>) src(%dma_wait3A_20 : memref<6400xi32, #tpu.memory_space<hbm>>) dst(%arg5 : memref<6400xi32, #tpu.memory_space<vmem>>)
      tpu.yield
    }) : () -> ()
    %multiple_of3A = arith.constant 0 : i32
    %multiple_of3A_3 = tpu.assume_multiple %multiple_of3A, 128 : i32
    %dma_start3A = arith.constant 0 : i32
    %dma_start3A_4 = arith.constant 0 : i32
    %dma_start3A_5 = arith.constant 0 : i32
    %dma_start3A_6 = tpu.memref_slice %arg6[%dma_start3A, %dma_start3A_4, %dma_start3A_5] : memref<2x128x64xf32, #tpu.memory_space<vmem>> -> memref<1x128x64xf32, #tpu.memory_space<vmem>>
    %dma_start3A_7 = tpu.memref_squeeze %dma_start3A_6 : memref<1x128x64xf32, #tpu.memory_space<vmem>> -> memref<128x64xf32, #tpu.memory_space<vmem>>
    %dma_start3A_8 = tpu.memref_slice %arg5[%multiple_of3A_3] : memref<6400xi32, #tpu.memory_space<vmem>> -> memref<128xi32, #tpu.memory_space<vmem>>
    %dma_start3A_9 = arith.constant 0 : i32
    %dma_start3A_10 = arith.constant 0 : i32
    %dma_start3A_11 = tpu.memref_slice %arg2[%dma_start3A_9, %dma_start3A_10] : memref<1000000x64xf32, #tpu.memory_space<hbm>> -> memref<1000000x64xf32, #tpu.memory_space<hbm>>
    tpu.enqueue_indirect_dma source(%dma_start3A_11 : memref<1000000x64xf32, #tpu.memory_space<hbm>>) target(%dma_start3A_7 : memref<128x64xf32, #tpu.memory_space<vmem>>) offsets(%dma_start3A_8 : memref<128xi32, #tpu.memory_space<vmem>>) semaphore(%arg7 : memref<!tpu.dma_semaphore, #tpu.memory_space<semaphore_mem>>)
    %scan3A = arith.constant 0 : i32
    %scan3A_12 = arith.constant 0 : i32
    %scan3A_13 = arith.constant 25 : i32
    %scan3A_14 = arith.addi %scan3A_12, %scan3A_13 : i32
    %scan3A_15 = arith.constant 1 : i32
    %scan3A_16 = scf.for %scan3A_18 = %scan3A_12 to %scan3A_14 step %scan3A_15 iter_args(%scan3A_19 = %scan3A) -> (i32)  : i32 {
      %mul3A_20 = arith.constant 2 : i32
      %mul3A_21 = arith.muli %scan3A_18, %mul3A_20 : i32
      %add3A_22 = arith.constant 1 : i32
      %add3A_23 = arith.addi %mul3A_21, %add3A_22 : i32
      %mul3A_24 = arith.constant 128 : i32
      %mul3A_25 = arith.muli %add3A_23, %mul3A_24 : i32
      %multiple_of3A_26 = tpu.assume_multiple %mul3A_25, 128 : i32
      %dma_start3A_27 = arith.constant 1 : i32
      %dma_start3A_28 = arith.constant 0 : i32
      %dma_start3A_29 = arith.constant 0 : i32
      %dma_start3A_30 = tpu.memref_slice %arg6[%dma_start3A_27, %dma_start3A_28, %dma_start3A_29] : memref<2x128x64xf32, #tpu.memory_space<vmem>> -> memref<1x128x64xf32, #tpu.memory_space<vmem>>
      %dma_start3A_31 = tpu.memref_squeeze %dma_start3A_30 : memref<1x128x64xf32, #tpu.memory_space<vmem>> -> memref<128x64xf32, #tpu.memory_space<vmem>>
      %dma_start3A_32 = tpu.memref_slice %arg5[%multiple_of3A_26] : memref<6400xi32, #tpu.memory_space<vmem>> -> memref<128xi32, #tpu.memory_space<vmem>>
      %dma_start3A_33 = arith.constant 0 : i32
      %dma_start3A_34 = arith.constant 0 : i32
      %dma_start3A_35 = tpu.memref_slice %arg2[%dma_start3A_33, %dma_start3A_34] : memref<1000000x64xf32, #tpu.memory_space<hbm>> -> memref<1000000x64xf32, #tpu.memory_space<hbm>>
      tpu.enqueue_indirect_dma source(%dma_start3A_35 : memref<1000000x64xf32, #tpu.memory_space<hbm>>) target(%dma_start3A_31 : memref<128x64xf32, #tpu.memory_space<vmem>>) offsets(%dma_start3A_32 : memref<128xi32, #tpu.memory_space<vmem>>) semaphore(%arg8 : memref<!tpu.dma_semaphore, #tpu.memory_space<semaphore_mem>>)
      %dma_wait3A = arith.constant 0 : i32
      %dma_wait3A_36 = arith.constant 0 : i32
      %dma_wait3A_37 = arith.constant 0 : i32
      %dma_wait3A_38 = tpu.memref_slice %arg6[%dma_wait3A, %dma_wait3A_36, %dma_wait3A_37] : memref<2x128x64xf32, #tpu.memory_space<vmem>> -> memref<1x128x64xf32, #tpu.memory_space<vmem>>
      %dma_wait3A_39 = tpu.memref_squeeze %dma_wait3A_38 : memref<1x128x64xf32, #tpu.memory_space<vmem>> -> memref<128x64xf32, #tpu.memory_space<vmem>>
      %dma_wait3A_40 = arith.constant 0 : i32
      %dma_wait3A_41 = tpu.memref_slice %arg5[%dma_wait3A_40] : memref<6400xi32, #tpu.memory_space<vmem>> -> memref<128xi32, #tpu.memory_space<vmem>>
      %dma_wait3A_42 = arith.constant 0 : i32
      %dma_wait3A_43 = arith.constant 0 : i32
      %dma_wait3A_44 = tpu.memref_slice %arg2[%dma_wait3A_42, %dma_wait3A_43] : memref<1000000x64xf32, #tpu.memory_space<hbm>> -> memref<1000000x64xf32, #tpu.memory_space<hbm>>
      tpu.wait_indirect_dma semaphore(%arg7 : memref<!tpu.dma_semaphore, #tpu.memory_space<semaphore_mem>>) src(%dma_wait3A_44 : memref<1000000x64xf32, #tpu.memory_space<hbm>>) dst(%dma_wait3A_39 : memref<128x64xf32, #tpu.memory_space<vmem>>)
      %mul3A_45 = arith.constant 128 : i32
      %mul3A_46 = arith.muli %mul3A_21, %mul3A_45 : i32
      %multiple_of3A_47 = tpu.assume_multiple %mul3A_46, 128 : i32
      %add3A_48 = arith.addi %mul3A_2, %multiple_of3A_47 : i32
      %run_scoped3A = arith.constant 0 : i32
      "tpu.region"() ({
        %run_scoped3A_71 = tpu.sem_alloc : memref<!tpu.dma_semaphore, #tpu.memory_space<semaphore_mem>>
        %dma_start3A_72 = arith.constant 0 : i32
        %dma_start3A_73 = arith.constant 0 : i32
        %dma_start3A_74 = tpu.memref_slice %arg6[%run_scoped3A, %dma_start3A_72, %dma_start3A_73] : memref<2x128x64xf32, #tpu.memory_space<vmem>> -> memref<1x128x64xf32, #tpu.memory_space<vmem>>
        %dma_start3A_75 = tpu.memref_squeeze %dma_start3A_74 : memref<1x128x64xf32, #tpu.memory_space<vmem>> -> memref<128x64xf32, #tpu.memory_space<vmem>>
        %dma_start3A_76 = arith.constant 0 : i32
        %dma_start3A_77 = tpu.memref_slice %arg4[%add3A_48, %dma_start3A_76] : memref<204800x64xf32, #tpu.memory_space<hbm>> -> memref<128x64xf32, #tpu.memory_space<hbm>>
        %dma_start3A_78 = arith.constant 0 : i32
        %dma_start3A_79 = tpu.memref_slice %arg4[%add3A_48, %dma_start3A_78] : memref<204800x64xf32, #tpu.memory_space<hbm>> -> memref<128x64xf32, #tpu.memory_space<hbm>>
        %dma_start3A_80 = arith.constant 0 : i32
        %dma_start3A_81 = arith.constant 0 : i32
        %dma_start3A_82 = tpu.memref_slice %arg6[%run_scoped3A, %dma_start3A_80, %dma_start3A_81] : memref<2x128x64xf32, #tpu.memory_space<vmem>> -> memref<1x128x64xf32, #tpu.memory_space<vmem>>
        %dma_start3A_83 = tpu.memref_squeeze %dma_start3A_82 : memref<1x128x64xf32, #tpu.memory_space<vmem>> -> memref<128x64xf32, #tpu.memory_space<vmem>>
        tpu.enqueue_dma source(%dma_start3A_83 : memref<128x64xf32, #tpu.memory_space<vmem>>) target(%dma_start3A_79 : memref<128x64xf32, #tpu.memory_space<hbm>>) target_semaphore(%run_scoped3A_71 : memref<!tpu.dma_semaphore, #tpu.memory_space<semaphore_mem>>)
        %dma_wait3A_84 = arith.constant 0 : i32
        %dma_wait3A_85 = arith.constant 0 : i32
        %dma_wait3A_86 = tpu.memref_slice %arg6[%run_scoped3A, %dma_wait3A_84, %dma_wait3A_85] : memref<2x128x64xf32, #tpu.memory_space<vmem>> -> memref<1x128x64xf32, #tpu.memory_space<vmem>>
        %dma_wait3A_87 = tpu.memref_squeeze %dma_wait3A_86 : memref<1x128x64xf32, #tpu.memory_space<vmem>> -> memref<128x64xf32, #tpu.memory_space<vmem>>
        %dma_wait3A_88 = arith.constant 0 : i32
        %dma_wait3A_89 = tpu.memref_slice %arg4[%add3A_48, %dma_wait3A_88] : memref<204800x64xf32, #tpu.memory_space<hbm>> -> memref<128x64xf32, #tpu.memory_space<hbm>>
        %dma_wait3A_90 = arith.constant 0 : i32
        %dma_wait3A_91 = tpu.memref_slice %arg4[%add3A_48, %dma_wait3A_90] : memref<204800x64xf32, #tpu.memory_space<hbm>> -> memref<128x64xf32, #tpu.memory_space<hbm>>
        %dma_wait3A_92 = arith.constant 0 : i32
        %dma_wait3A_93 = arith.constant 0 : i32
        %dma_wait3A_94 = tpu.memref_slice %arg6[%run_scoped3A, %dma_wait3A_92, %dma_wait3A_93] : memref<2x128x64xf32, #tpu.memory_space<vmem>> -> memref<1x128x64xf32, #tpu.memory_space<vmem>>
        %dma_wait3A_95 = tpu.memref_squeeze %dma_wait3A_94 : memref<1x128x64xf32, #tpu.memory_space<vmem>> -> memref<128x64xf32, #tpu.memory_space<vmem>>
        tpu.wait_dma2 semaphore(%run_scoped3A_71 : memref<!tpu.dma_semaphore, #tpu.memory_space<semaphore_mem>>) src(%dma_wait3A_95 : memref<128x64xf32, #tpu.memory_space<vmem>>) dst(%dma_wait3A_91 : memref<128x64xf32, #tpu.memory_space<hbm>>)
        tpu.yield
      }) : () -> ()
      %add3A_49 = arith.constant 1 : i32
      %add3A_50 = arith.addi %scan3A_18, %add3A_49 : i32
      %lt3A = arith.constant 25 : i32
      %lt3A_51 = arith.cmpi slt, %add3A_50, %lt3A : i32
      %convert_element_type3A = arith.extui %lt3A_51 : i1 to i32
      %cond3A = arith.constant 0 : i32
      %cond3A_52 = arith.cmpi ne, %convert_element_type3A, %cond3A : i32
      scf.if %cond3A_52 {
        %add3A_71 = arith.constant 2 : i32
        %add3A_72 = arith.addi %mul3A_21, %add3A_71 : i32
        %mul3A_73 = arith.constant 128 : i32
        %mul3A_74 = arith.muli %add3A_72, %mul3A_73 : i32
        %multiple_of3A_75 = tpu.assume_multiple %mul3A_74, 128 : i32
        %dma_start3A_76 = arith.constant 0 : i32
        %dma_start3A_77 = arith.constant 0 : i32
        %dma_start3A_78 = arith.constant 0 : i32
        %dma_start3A_79 = tpu.memref_slice %arg6[%dma_start3A_76, %dma_start3A_77, %dma_start3A_78] : memref<2x128x64xf32, #tpu.memory_space<vmem>> -> memref<1x128x64xf32, #tpu.memory_space<vmem>>
        %dma_start3A_80 = tpu.memref_squeeze %dma_start3A_79 : memref<1x128x64xf32, #tpu.memory_space<vmem>> -> memref<128x64xf32, #tpu.memory_space<vmem>>
        %dma_start3A_81 = tpu.memref_slice %arg5[%multiple_of3A_75] : memref<6400xi32, #tpu.memory_space<vmem>> -> memref<128xi32, #tpu.memory_space<vmem>>
        %dma_start3A_82 = arith.constant 0 : i32
        %dma_start3A_83 = arith.constant 0 : i32
        %dma_start3A_84 = tpu.memref_slice %arg2[%dma_start3A_82, %dma_start3A_83] : memref<1000000x64xf32, #tpu.memory_space<hbm>> -> memref<1000000x64xf32, #tpu.memory_space<hbm>>
        tpu.enqueue_indirect_dma source(%dma_start3A_84 : memref<1000000x64xf32, #tpu.memory_space<hbm>>) target(%dma_start3A_80 : memref<128x64xf32, #tpu.memory_space<vmem>>) offsets(%dma_start3A_81 : memref<128xi32, #tpu.memory_space<vmem>>) semaphore(%arg7 : memref<!tpu.dma_semaphore, #tpu.memory_space<semaphore_mem>>)
      } else {
      }
      %dma_wait3A_53 = arith.constant 1 : i32
      %dma_wait3A_54 = arith.constant 0 : i32
      %dma_wait3A_55 = arith.constant 0 : i32
      %dma_wait3A_56 = tpu.memref_slice %arg6[%dma_wait3A_53, %dma_wait3A_54, %dma_wait3A_55] : memref<2x128x64xf32, #tpu.memory_space<vmem>> -> memref<1x128x64xf32, #tpu.memory_space<vmem>>
      %dma_wait3A_57 = tpu.memref_squeeze %dma_wait3A_56 : memref<1x128x64xf32, #tpu.memory_space<vmem>> -> memref<128x64xf32, #tpu.memory_space<vmem>>
      %dma_wait3A_58 = arith.constant 0 : i32
      %dma_wait3A_59 = tpu.memref_slice %arg5[%dma_wait3A_58] : memref<6400xi32, #tpu.memory_space<vmem>> -> memref<128xi32, #tpu.memory_space<vmem>>
      %dma_wait3A_60 = arith.constant 0 : i32
      %dma_wait3A_61 = arith.constant 0 : i32
      %dma_wait3A_62 = tpu.memref_slice %arg2[%dma_wait3A_60, %dma_wait3A_61] : memref<1000000x64xf32, #tpu.memory_space<hbm>> -> memref<1000000x64xf32, #tpu.memory_space<hbm>>
      tpu.wait_indirect_dma semaphore(%arg8 : memref<!tpu.dma_semaphore, #tpu.memory_space<semaphore_mem>>) src(%dma_wait3A_62 : memref<1000000x64xf32, #tpu.memory_space<hbm>>) dst(%dma_wait3A_57 : memref<128x64xf32, #tpu.memory_space<vmem>>)
      %add3A_63 = arith.constant 1 : i32
      %add3A_64 = arith.addi %mul3A_21, %add3A_63 : i32
      %mul3A_65 = arith.constant 128 : i32
      %mul3A_66 = arith.muli %add3A_64, %mul3A_65 : i32
      %multiple_of3A_67 = tpu.assume_multiple %mul3A_66, 128 : i32
      %add3A_68 = arith.addi %mul3A_2, %multiple_of3A_67 : i32
      %run_scoped3A_69 = arith.constant 1 : i32
      "tpu.region"() ({
        %run_scoped3A_71 = tpu.sem_alloc : memref<!tpu.dma_semaphore, #tpu.memory_space<semaphore_mem>>
        %dma_start3A_72 = arith.constant 0 : i32
        %dma_start3A_73 = arith.constant 0 : i32
        %dma_start3A_74 = tpu.memref_slice %arg6[%run_scoped3A_69, %dma_start3A_72, %dma_start3A_73] : memref<2x128x64xf32, #tpu.memory_space<vmem>> -> memref<1x128x64xf32, #tpu.memory_space<vmem>>
        %dma_start3A_75 = tpu.memref_squeeze %dma_start3A_74 : memref<1x128x64xf32, #tpu.memory_space<vmem>> -> memref<128x64xf32, #tpu.memory_space<vmem>>
        %dma_start3A_76 = arith.constant 0 : i32
        %dma_start3A_77 = tpu.memref_slice %arg4[%add3A_68, %dma_start3A_76] : memref<204800x64xf32, #tpu.memory_space<hbm>> -> memref<128x64xf32, #tpu.memory_space<hbm>>
        %dma_start3A_78 = arith.constant 0 : i32
        %dma_start3A_79 = tpu.memref_slice %arg4[%add3A_68, %dma_start3A_78] : memref<204800x64xf32, #tpu.memory_space<hbm>> -> memref<128x64xf32, #tpu.memory_space<hbm>>
        %dma_start3A_80 = arith.constant 0 : i32
        %dma_start3A_81 = arith.constant 0 : i32
        %dma_start3A_82 = tpu.memref_slice %arg6[%run_scoped3A_69, %dma_start3A_80, %dma_start3A_81] : memref<2x128x64xf32, #tpu.memory_space<vmem>> -> memref<1x128x64xf32, #tpu.memory_space<vmem>>
        %dma_start3A_83 = tpu.memref_squeeze %dma_start3A_82 : memref<1x128x64xf32, #tpu.memory_space<vmem>> -> memref<128x64xf32, #tpu.memory_space<vmem>>
        tpu.enqueue_dma source(%dma_start3A_83 : memref<128x64xf32, #tpu.memory_space<vmem>>) target(%dma_start3A_79 : memref<128x64xf32, #tpu.memory_space<hbm>>) target_semaphore(%run_scoped3A_71 : memref<!tpu.dma_semaphore, #tpu.memory_space<semaphore_mem>>)
        %dma_wait3A_84 = arith.constant 0 : i32
        %dma_wait3A_85 = arith.constant 0 : i32
        %dma_wait3A_86 = tpu.memref_slice %arg6[%run_scoped3A_69, %dma_wait3A_84, %dma_wait3A_85] : memref<2x128x64xf32, #tpu.memory_space<vmem>> -> memref<1x128x64xf32, #tpu.memory_space<vmem>>
        %dma_wait3A_87 = tpu.memref_squeeze %dma_wait3A_86 : memref<1x128x64xf32, #tpu.memory_space<vmem>> -> memref<128x64xf32, #tpu.memory_space<vmem>>
        %dma_wait3A_88 = arith.constant 0 : i32
        %dma_wait3A_89 = tpu.memref_slice %arg4[%add3A_68, %dma_wait3A_88] : memref<204800x64xf32, #tpu.memory_space<hbm>> -> memref<128x64xf32, #tpu.memory_space<hbm>>
        %dma_wait3A_90 = arith.constant 0 : i32
        %dma_wait3A_91 = tpu.memref_slice %arg4[%add3A_68, %dma_wait3A_90] : memref<204800x64xf32, #tpu.memory_space<hbm>> -> memref<128x64xf32, #tpu.memory_space<hbm>>
        %dma_wait3A_92 = arith.constant 0 : i32
        %dma_wait3A_93 = arith.constant 0 : i32
        %dma_wait3A_94 = tpu.memref_slice %arg6[%run_scoped3A_69, %dma_wait3A_92, %dma_wait3A_93] : memref<2x128x64xf32, #tpu.memory_space<vmem>> -> memref<1x128x64xf32, #tpu.memory_space<vmem>>
        %dma_wait3A_95 = tpu.memref_squeeze %dma_wait3A_94 : memref<1x128x64xf32, #tpu.memory_space<vmem>> -> memref<128x64xf32, #tpu.memory_space<vmem>>
        tpu.wait_dma2 semaphore(%run_scoped3A_71 : memref<!tpu.dma_semaphore, #tpu.memory_space<semaphore_mem>>) src(%dma_wait3A_95 : memref<128x64xf32, #tpu.memory_space<vmem>>) dst(%dma_wait3A_91 : memref<128x64xf32, #tpu.memory_space<hbm>>)
        tpu.yield
      }) : () -> ()
      %scan3A_70 = arith.constant 0 : i32
      scf.yield %scan3A_70 : i32
    }
    %scan3A_17 = arith.constant 25 : i32
    return
  }
}

module attributes {stable_mosaic.version = 14 : i64} {
  func.func @_tc_fused_body(%arg0: i32, %arg1: memref<6400x128xf32, #tpu.memory_space<vmem>>, %arg2: memref<128x32xf32, #tpu.memory_space<vmem>>, %arg3: memref<1x32xf32, #tpu.memory_space<vmem>>, %arg4: memref<32x2xf32, #tpu.memory_space<vmem>>, %arg5: memref<64x64xf32, #tpu.memory_space<vmem>>) attributes {dimension_semantics = [#tpu.dimension_semantics<arbitrary>], iteration_bounds = array<i64: 16>, scalar_prefetch = 0 : i64, scratch_operands = 0 : i64, tpu.core_type = #tpu.core_type<tc>, window_params = [{transform_indices = @transform_0, window_bounds = array<i64: 6400, 128>}, {pipeline_mode = #tpu.pipeline_mode<synchronous>, transform_indices = @transform_1, window_bounds = array<i64: 128, 32>}, {pipeline_mode = #tpu.pipeline_mode<synchronous>, transform_indices = @transform_2, window_bounds = array<i64: 1, 32>}, {pipeline_mode = #tpu.pipeline_mode<synchronous>, transform_indices = @transform_3, window_bounds = array<i64: 32, 2>}, {transform_indices = @transform_4, window_bounds = array<i64: 64, 64>}]} {
    %get3A = arith.constant 0 : index
    %get3A_0 = arith.constant 0 : index
    %get3A_1 = vector.load %arg1[%get3A, %get3A_0] : memref<6400x128xf32, #tpu.memory_space<vmem>>, vector<6400x128xf32>
    %get3A_2 = arith.constant 0 : index
    %get3A_3 = arith.constant 0 : index
    %get3A_4 = vector.load %arg2[%get3A_2, %get3A_3] : memref<128x32xf32, #tpu.memory_space<vmem>>, vector<128x32xf32>
    %get3A_5 = arith.constant 0 : index
    %get3A_6 = arith.constant 0 : index
    %get3A_7 = vector.load %arg3[%get3A_5, %get3A_6] : memref<1x32xf32, #tpu.memory_space<vmem>>, vector<1x32xf32>
    %get3A_8 = arith.constant 0 : index
    %get3A_9 = arith.constant 0 : index
    %get3A_10 = vector.load %arg4[%get3A_8, %get3A_9] : memref<32x2xf32, #tpu.memory_space<vmem>>, vector<32x2xf32>
    %dot_general3A = arith.constant dense<0.000000e+00> : vector<6400x32xf32>
    %dot_general3A_11 = tpu.matmul %get3A_1, %get3A_4, %dot_general3A {dimension_numbers = #tpu.dot_dimension_numbers<[1], [0], [0], [1], [0, 0, 1, 1], [], []>, transpose_lhs_hint = false} : vector<6400x128xf32>, vector<128x32xf32>, vector<6400x32xf32> -> vector<6400x32xf32>
    %add3A = vector.broadcast %get3A_7 : vector<1x32xf32> to vector<6400x32xf32>
    %add3A_12 = arith.addf %dot_general3A_11, %add3A : vector<6400x32xf32>
    %tanh3A = math.tanh %add3A_12 : vector<6400x32xf32>
    %dot_general3A_13 = arith.constant dense<0.000000e+00> : vector<6400x2xf32>
    %dot_general3A_14 = tpu.matmul %tanh3A, %get3A_10, %dot_general3A_13 {dimension_numbers = #tpu.dot_dimension_numbers<[1], [0], [0], [1], [0, 0, 1, 1], [], []>, transpose_lhs_hint = false} : vector<6400x32xf32>, vector<32x2xf32>, vector<6400x2xf32> -> vector<6400x2xf32>
    %exp3A = math.exp %dot_general3A_14 : vector<6400x2xf32>
    %iota3A = tpu.iota {dimensions = array<i32: 1>} : vector<2x128xi32>
    %jit3A = arith.constant 64 : i32
    %div3A = vector.broadcast %jit3A : i32 to vector<2x128xi32>
    %div3A_15 = arith.divsi %iota3A, %div3A : vector<2x128xi32>
    %sign3A = arith.constant 0 : i32
    %sign3A_16 = vector.broadcast %sign3A : i32 to vector<2x128xi32>
    %sign3A_17 = arith.cmpi sgt, %iota3A, %sign3A_16 : vector<2x128xi32>
    %sign3A_18 = arith.extui %sign3A_17 : vector<2x128xi1> to vector<2x128xi32>
    %sign3A_19 = arith.constant 0 : i32
    %sign3A_20 = vector.broadcast %sign3A_19 : i32 to vector<2x128xi32>
    %sign3A_21 = arith.cmpi slt, %iota3A, %sign3A_20 : vector<2x128xi32>
    %sign3A_22 = arith.extui %sign3A_21 : vector<2x128xi1> to vector<2x128xi32>
    %sign3A_23 = arith.subi %sign3A_18, %sign3A_22 : vector<2x128xi32>
    %sign3A_24 = arith.constant 0 : i32
    %sign3A_25 = arith.cmpi sgt, %jit3A, %sign3A_24 : i32
    %sign3A_26 = arith.extui %sign3A_25 : i1 to i32
    %sign3A_27 = arith.constant 0 : i32
    %sign3A_28 = arith.cmpi slt, %jit3A, %sign3A_27 : i32
    %sign3A_29 = arith.extui %sign3A_28 : i1 to i32
    %sign3A_30 = arith.subi %sign3A_26, %sign3A_29 : i32
    %ne3A = vector.broadcast %sign3A_30 : i32 to vector<2x128xi32>
    %ne3A_31 = arith.cmpi ne, %sign3A_23, %ne3A : vector<2x128xi32>
    %rem3A = vector.broadcast %jit3A : i32 to vector<2x128xi32>
    %rem3A_32 = arith.remsi %iota3A, %rem3A : vector<2x128xi32>
    %ne3A_33 = arith.constant 0 : i32
    %ne3A_34 = vector.broadcast %ne3A_33 : i32 to vector<2x128xi32>
    %ne3A_35 = arith.cmpi ne, %rem3A_32, %ne3A_34 : vector<2x128xi32>
    %and3A = arith.andi %ne3A_31, %ne3A_35 : vector<2x128xi1>
    %sub3A = arith.constant 1 : i32
    %sub3A_36 = vector.broadcast %sub3A : i32 to vector<2x128xi32>
    %sub3A_37 = arith.subi %div3A_15, %sub3A_36 : vector<2x128xi32>
    %select_n3A = arith.select %and3A, %sub3A_37, %div3A_15 : vector<2x128xi1>, vector<2x128xi32>
    %iota3A_38 = tpu.iota {dimensions = array<i32: 0>} : vector<2x128xi32>
    %eq3A = arith.cmpi eq, %select_n3A, %iota3A_38 : vector<2x128xi32>
    %jit3A_39 = arith.constant 1.000000e+00 : f32
    %jit3A_40 = arith.constant 0.000000e+00 : f32
    %broadcast_in_dim3A = vector.broadcast %jit3A_39 : f32 to vector<2x128xf32>
    %broadcast_in_dim3A_41 = vector.broadcast %jit3A_40 : f32 to vector<2x128xf32>
    %select_n3A_42 = arith.select %eq3A, %broadcast_in_dim3A, %broadcast_in_dim3A_41 : vector<2x128xi1>, vector<2x128xf32>
    %dot_general3A_43 = arith.constant dense<0.000000e+00> : vector<6400x128xf32>
    %dot_general3A_44 = tpu.matmul %exp3A, %select_n3A_42, %dot_general3A_43 {dimension_numbers = #tpu.dot_dimension_numbers<[1], [0], [0], [1], [0, 0, 1, 1], [], []>, transpose_lhs_hint = false} : vector<6400x2xf32>, vector<2x128xf32>, vector<6400x128xf32> -> vector<6400x128xf32>
    %mul3A = arith.mulf %get3A_1, %dot_general3A_44 : vector<6400x128xf32>
    %iota3A_45 = tpu.iota {dimensions = array<i32: 1>} : vector<64x6400xi32>
    %jit3A_46 = arith.constant 100 : i32
    %div3A_47 = vector.broadcast %jit3A_46 : i32 to vector<64x6400xi32>
    %div3A_48 = arith.divsi %iota3A_45, %div3A_47 : vector<64x6400xi32>
    %sign3A_49 = arith.constant 0 : i32
    %sign3A_50 = vector.broadcast %sign3A_49 : i32 to vector<64x6400xi32>
    %sign3A_51 = arith.cmpi sgt, %iota3A_45, %sign3A_50 : vector<64x6400xi32>
    %sign3A_52 = arith.extui %sign3A_51 : vector<64x6400xi1> to vector<64x6400xi32>
    %sign3A_53 = arith.constant 0 : i32
    %sign3A_54 = vector.broadcast %sign3A_53 : i32 to vector<64x6400xi32>
    %sign3A_55 = arith.cmpi slt, %iota3A_45, %sign3A_54 : vector<64x6400xi32>
    %sign3A_56 = arith.extui %sign3A_55 : vector<64x6400xi1> to vector<64x6400xi32>
    %sign3A_57 = arith.subi %sign3A_52, %sign3A_56 : vector<64x6400xi32>
    %sign3A_58 = arith.constant 0 : i32
    %sign3A_59 = arith.cmpi sgt, %jit3A_46, %sign3A_58 : i32
    %sign3A_60 = arith.extui %sign3A_59 : i1 to i32
    %sign3A_61 = arith.constant 0 : i32
    %sign3A_62 = arith.cmpi slt, %jit3A_46, %sign3A_61 : i32
    %sign3A_63 = arith.extui %sign3A_62 : i1 to i32
    %sign3A_64 = arith.subi %sign3A_60, %sign3A_63 : i32
    %ne3A_65 = vector.broadcast %sign3A_64 : i32 to vector<64x6400xi32>
    %ne3A_66 = arith.cmpi ne, %sign3A_57, %ne3A_65 : vector<64x6400xi32>
    %rem3A_67 = vector.broadcast %jit3A_46 : i32 to vector<64x6400xi32>
    %rem3A_68 = arith.remsi %iota3A_45, %rem3A_67 : vector<64x6400xi32>
    %ne3A_69 = arith.constant 0 : i32
    %ne3A_70 = vector.broadcast %ne3A_69 : i32 to vector<64x6400xi32>
    %ne3A_71 = arith.cmpi ne, %rem3A_68, %ne3A_70 : vector<64x6400xi32>
    %and3A_72 = arith.andi %ne3A_66, %ne3A_71 : vector<64x6400xi1>
    %sub3A_73 = arith.constant 1 : i32
    %sub3A_74 = vector.broadcast %sub3A_73 : i32 to vector<64x6400xi32>
    %sub3A_75 = arith.subi %div3A_48, %sub3A_74 : vector<64x6400xi32>
    %select_n3A_76 = arith.select %and3A_72, %sub3A_75, %div3A_48 : vector<64x6400xi1>, vector<64x6400xi32>
    %iota3A_77 = tpu.iota {dimensions = array<i32: 0>} : vector<64x6400xi32>
    %eq3A_78 = arith.cmpi eq, %select_n3A_76, %iota3A_77 : vector<64x6400xi32>
    %jit3A_79 = arith.constant 1.000000e+00 : f32
    %jit3A_80 = arith.constant 0.000000e+00 : f32
    %broadcast_in_dim3A_81 = vector.broadcast %jit3A_79 : f32 to vector<64x6400xf32>
    %broadcast_in_dim3A_82 = vector.broadcast %jit3A_80 : f32 to vector<64x6400xf32>
    %select_n3A_83 = arith.select %eq3A_78, %broadcast_in_dim3A_81, %broadcast_in_dim3A_82 : vector<64x6400xi1>, vector<64x6400xf32>
    %dot_general3A_84 = arith.constant dense<0.000000e+00> : vector<64x128xf32>
    %dot_general3A_85 = tpu.matmul %select_n3A_83, %mul3A, %dot_general3A_84 {dimension_numbers = #tpu.dot_dimension_numbers<[1], [0], [0], [1], [0, 0, 1, 1], [], []>, transpose_lhs_hint = false} : vector<64x6400xf32>, vector<6400x128xf32>, vector<64x128xf32> -> vector<64x128xf32>
    %reduce_sum3A = arith.constant dense<0.000000e+00> : vector<6400xf32>
    %reduce_sum3A_86 = vector.multi_reduction <add>, %exp3A, %reduce_sum3A [1] : vector<6400x2xf32> to vector<6400xf32>
    %broadcast_in_dim3A_87 = vector.shape_cast %reduce_sum3A_86 : vector<6400xf32> to vector<6400x1xf32>
    %dot_general3A_88 = arith.constant dense<0.000000e+00> : vector<64x1xf32>
    %dot_general3A_89 = tpu.matmul %select_n3A_83, %broadcast_in_dim3A_87, %dot_general3A_88 {dimension_numbers = #tpu.dot_dimension_numbers<[1], [0], [0], [1], [0, 0, 1, 1], [], []>, transpose_lhs_hint = false} : vector<64x6400xf32>, vector<6400x1xf32>, vector<64x1xf32> -> vector<64x1xf32>
    %slice3A = vector.extract_strided_slice %dot_general3A_85 {offsets = [0, 0], sizes = [64, 64], strides = [1, 1]} : vector<64x128xf32> to vector<64x64xf32>
    %slice3A_90 = vector.extract_strided_slice %dot_general3A_85 {offsets = [0, 64], sizes = [64, 64], strides = [1, 1]} : vector<64x128xf32> to vector<64x64xf32>
    %add3A_91 = arith.addf %slice3A, %slice3A_90 : vector<64x64xf32>
    %max3A = arith.constant 1.000000e-30 : f32
    %max3A_92 = vector.broadcast %max3A : f32 to vector<64x1xf32>
    %max3A_93 = arith.maximumf %dot_general3A_89, %max3A_92 : vector<64x1xf32>
    %div3A_94 = vector.broadcast %max3A_93 : vector<64x1xf32> to vector<64x64xf32>
    %div3A_95 = arith.divf %add3A_91, %div3A_94 : vector<64x64xf32>
    %mul3A_96 = arith.mulf %div3A_95, %div3A_95 : vector<64x64xf32>
    %reduce_sum3A_97 = arith.constant dense<0.000000e+00> : vector<64xf32>
    %reduce_sum3A_98 = vector.multi_reduction <add>, %mul3A_96, %reduce_sum3A_97 [1] : vector<64x64xf32> to vector<64xf32>
    %broadcast_in_dim3A_99 = vector.shape_cast %reduce_sum3A_98 : vector<64xf32> to vector<64x1xf32>
    %sqrt3A = math.sqrt %broadcast_in_dim3A_99 : vector<64x1xf32>
    %max3A_100 = arith.constant 9.99999996E-13 : f32
    %max3A_101 = vector.broadcast %max3A_100 : f32 to vector<64x1xf32>
    %max3A_102 = arith.maximumf %sqrt3A, %max3A_101 : vector<64x1xf32>
    %div3A_103 = vector.broadcast %max3A_102 : vector<64x1xf32> to vector<64x64xf32>
    %div3A_104 = arith.divf %div3A_95, %div3A_103 : vector<64x64xf32>
    %swap3A = arith.constant 0 : index
    %swap3A_105 = arith.constant 0 : index
    %swap3A_106 = vector.load %arg5[%swap3A, %swap3A_105] : memref<64x64xf32, #tpu.memory_space<vmem>>, vector<64x64xf32>
    tpu.vector_store %arg5[%swap3A, %swap3A_105], %div3A_104 {strides = array<i32>} : memref<64x64xf32, #tpu.memory_space<vmem>>, vector<64x64xf32>,
    return
  }
  func.func @transform_0(%arg0: i32) -> (i32, i32) {
    %c0_i32 = arith.constant 0 : i32
    %c0_i32_0 = arith.constant 0 : i32
    return %arg0, %c0_i32 : i32, i32
  }
  func.func @transform_1(%arg0: i32) -> (i32, i32) {
    %c0_i32 = arith.constant 0 : i32
    %c0_i32_0 = arith.constant 0 : i32
    %c0_i32_1 = arith.constant 0 : i32
    return %c0_i32, %c0_i32_0 : i32, i32
  }
  func.func @transform_2(%arg0: i32) -> (i32, i32) {
    %c0_i32 = arith.constant 0 : i32
    %c0_i32_0 = arith.constant 0 : i32
    %c0_i32_1 = arith.constant 0 : i32
    return %c0_i32, %c0_i32_0 : i32, i32
  }
  func.func @transform_3(%arg0: i32) -> (i32, i32) {
    %c0_i32 = arith.constant 0 : i32
    %c0_i32_0 = arith.constant 0 : i32
    %c0_i32_1 = arith.constant 0 : i32
    return %c0_i32, %c0_i32_0 : i32, i32
  }
  func.func @transform_4(%arg0: i32) -> (i32, i32) {
    %c0_i32 = arith.constant 0 : i32
    %c0_i32_0 = arith.constant 0 : i32
    return %arg0, %c0_i32 : i32, i32
  }
}

</mosaic_0001>

<sc_bundles>
// kernel: kernel.10.cloned.1.call-start
scs
__scs_entry_jumppad:
0x0: {  	(pc) =	sbr.rel $0x88, $3  }
0x1: {  	(tag) =	ssettag $0x0;
	lr =	simm.s32 $0x1  }
0x2: {  	[smem:$0x3F9C] =	sst lr;
	_ =	strace $0xD0000000  }
0x3: {  	_ = 	snop  }
0x4: {  	_ = 	snop  }
0x5: {  	_ = 	snop  }
0x6: {  	_ = 	snop  }
0x7: {  	_ = 	snop  }
__scs_overlays_trampoline_lowered:
0x8: {  	[smem:$0x3FAB] =	sst s0  }
0x9: {  	[smem:$0x3FAC] =	sst s1  }
0xa: {  	[smem:$0x3FAD] =	sst s2  }
0xb: {  	[smem:$0x3FAE] =	sst s3  }
0xc: {  	[smem:$0x3FAF] =	sst s4  }
0xd: {  	[smem:$0x3FB0] =	sst s5  }
0xe: {  	[smem:$0x3FB1] =	sst s6  }
0xf: {  	[smem:$0x3FB2] =	sst s7  }
0x10: {  	[smem:$0x3FB3] =	sst s8  }
0x11: {  	[smem:$0x3FB4] =	sst s9;
	s0 =	simm.s32 @!p0 $0x0  }
0x12: {  	s1 =	sld [smem:$0x3F9A];
	s0 =	simm.s32 @p0 $0x1  }
0x13: {  	[smem:$0x3FB5] =	sst s0;
	s0 =	simm.s32 @!p1 $0x0  }
0x14: {  	s2 =	sld [smem:$0x3F99];
	s0 =	simm.s32 @p1 $0x1  }
0x15: {  	[smem:$0x3FB6] =	sst s0;
	s0 =	simm.s32 @!p2 $0x0  }
0x16: {  	s3 =	sld [smem:$0x3FDB];
	s0 =	simm.s32 @p2 $0x1  }
0x17: {  	s4 =	simm.s32 $0x1BF5;
	[smem:$0x3FB8] =	sst s0  }
0x18: {  	s0 =	sld [smem:$0x3F9B];
	_ =	swait.ge [sflag:s4], $0x0  }
0x19: {  	s7 =	sld [smem:$0x3F9C]  }
0x1a: {  	s8 =	sadd.s32 $0xFFFFE003, lr  }
0x1b: {  	s9 =	sadd.s32 $0xFFFFFEF7, lr;
	s5 =	simm.s32 $0xFFFFFFFF;
	p2 =	slt.u32 s8, $0xFFFFF086  }
0x1c: {  	p1 =	slt.u32 s9, $0xF7A;
	s5 =	simm.s32 @!p2 $0x0  }
0x1d: {  	s5 =	simm.s32 @p1 $0x1;
	p0 =	seq.s32 s7, s2  }
0x1e: {  	s7 =	smul.u32 @!p0 $0xF7A, s2;
	p2 =	seq.s32 @!p0 s5, $0x0  }
0x1f: {  	s9 =	smul.u32 $0xF7A, s1;
	s8 =	simm.s32 @!p0 $0x1BF5;
	p2 =	por !p2, p0  }
0x20: {  	[sflag:s8] =	ssyncset.s32 @!p0 $0xFFFFF086;
	s6 =	sadd.s32 @!p0 s3, s7;
	s7 =	simm.s32 @!p0 $0x108  }
0x21: {  	s3 =	sadd.s32 s3, s9;
	s6 =	sadd.s32 @!p0 $0x88, s6;
	s7 =	simm.s32 @p2 $0x1082  }
0x22: {  	[simem:s7], [sflag:s8] =	dma.local @!p0 [hbm:s6], $0xF7A  }
0x23: {  	s9 =	sor.u32 $0xD0000000, s2;
	s6 =	simm.s32 $0x108;
	_ =	swait.ge @!p0 [sflag:s8], $0x0  }
0x24: {  	s3 =	sadd.s32 $0x88, s3;
	s6 =	simm.s32 @!p1 $0x1082;
	[sflag:s4] =	ssyncset.s32 $0xFFFFF086  }
0x25: {  	[simem:s6], [sflag:s4] =	dma.local [hbm:s3], $0xF7A  }
0x26: {  	[smem:$0x3F9C] =	sst s1;
	(tag) =	ssettag s2;
	_ =	strace s9  }
0x27: {  	s1 =	sld [smem:$0x3FAC]  }
0x28: {  	s2 =	sld [smem:$0x3FAD]  }
0x29: {  	s4 =	sld [smem:$0x3FAF]  }
0x2a: {  	p0 =	seq.s32 s5, $0x0;
	s5 =	sld [smem:$0x3FB0]  }
0x2b: {  	s6 =	sld [smem:$0x3FB1]  }
0x2c: {  	s7 =	sld [smem:$0x3FB2]  }
0x2d: {  	s3 =	simm.s32 $0x108;
	s8 =	sld [smem:$0x3FB3]  }
0x2e: {  	s3 =	simm.s32 @!p0 $0x1082;
	s9 =	sld [smem:$0x3FB4]  }
0x2f: {  	lr =	sadd.s32 s0, s3;
	s0 =	sld [smem:$0x3FAB]  }
0x30: {  	s3 =	sld [smem:$0x3FAE]  }
0x31: {  	[smem:$0x3FB7] =	sst s10  }
0x32: {  	s10 =	sld [smem:$0x3FB5];
	_ =	sdelay $0x3  }
0x33: {  	p0 =	seq.s32 s10, $0x1;
	s10 =	sld [smem:$0x3FB7];
	_ =	sdelay $0x3  }
0x34: {  	[smem:$0x3FB7] =	sst s10  }
0x35: {  	s10 =	sld [smem:$0x3FB6];
	_ =	sdelay $0x3  }
0x36: {  	p1 =	seq.s32 s10, $0x1;
	s10 =	sld [smem:$0x3FB7];
	_ =	sdelay $0x3  }
0x37: {  	[smem:$0x3FB7] =	sst s10  }
0x38: {  	s10 =	sld [smem:$0x3FB8]  }
0x39: {  	_ = 	snop;
	(pc) =	sbr.ind lr, $3  }
0x3a: {  	_ = 	snop  }
0x3b: {  	_ = 	snop  }
0x3c: {  	p2 =	seq.s32 s10, $0x1;
	s10 =	sld [smem:$0x3FB7]  }
0x3d: {  	_ =	shalt  }
0x3e: {  	_ =	shalt  }
0x3f: {  	_ =	shalt  }
0x40: {  	_ =	shalt  }
0x41: {  	_ =	shalt  }
0x42: {  	_ =	shalt  }
0x43: {  	_ =	shalt  }
0x44: {  	_ =	shalt  }
0x45: {  	_ =	shalt  }
0x46: {  	_ =	shalt  }
0x47: {  	_ =	shalt  }
0x48: {  	_ =	shalt  }
0x49: {  	_ =	shalt  }
0x4a: {  	_ =	shalt  }
0x4b: {  	_ =	shalt  }
0x4c: {  	_ =	shalt  }
0x4d: {  	_ =	shalt  }
0x4e: {  	_ =	shalt  }
0x4f: {  	_ =	shalt  }
0x50: {  	_ =	shalt  }
0x51: {  	_ =	shalt  }
0x52: {  	_ =	shalt  }
0x53: {  	_ =	shalt  }
0x54: {  	_ =	shalt  }
0x55: {  	_ =	shalt  }
0x56: {  	_ =	shalt  }
0x57: {  	_ =	shalt  }
0x58: {  	_ =	shalt  }
0x59: {  	_ =	shalt  }
0x5a: {  	_ =	shalt  }
0x5b: {  	_ =	shalt  }
0x5c: {  	_ =	shalt  }
0x5d: {  	_ =	shalt  }
0x5e: {  	_ =	shalt  }
0x5f: {  	_ =	shalt  }
0x60: {  	_ =	shalt  }
0x61: {  	_ =	shalt  }
0x62: {  	_ =	shalt  }
0x63: {  	_ =	shalt  }
0x64: {  	_ =	shalt  }
0x65: {  	_ =	shalt  }
0x66: {  	_ =	shalt  }
0x67: {  	_ =	shalt  }
0x68: {  	_ =	shalt  }
0x69: {  	_ =	shalt  }
0x6a: {  	_ =	shalt  }
0x6b: {  	_ =	shalt  }
0x6c: {  	_ =	shalt  }
0x6d: {  	_ =	shalt  }
0x6e: {  	_ =	shalt  }
0x6f: {  	_ =	shalt  }
0x70: {  	_ =	shalt  }
0x71: {  	_ =	shalt  }
0x72: {  	_ =	shalt  }
0x73: {  	_ =	shalt  }
0x74: {  	_ =	shalt  }
0x75: {  	_ =	shalt  }
0x76: {  	_ =	shalt  }
0x77: {  	_ =	shalt  }
0x78: {  	_ =	shalt  }
0x79: {  	_ =	shalt  }
0x7a: {  	_ =	shalt  }
0x7b: {  	_ =	shalt  }
0x7c: {  	_ =	shalt  }
0x7d: {  	_ =	shalt  }
0x7e: {  	_ =	shalt  }
0x7f: {  	_ =	shalt  }
0x80: {  	_ =	shalt  }
0x81: {  	_ =	shalt  }
0x82: {  	_ =	shalt  }
0x83: {  	_ =	shalt  }
0x84: {  	_ =	shalt  }
0x85: {  	_ =	shalt  }
0x86: {  	_ =	shalt  }
0x87: {  	_ =	shalt  }
.Lfunc_end0:
.L_simem_size_0:
called_computation_lowered:
.L_overlay_start_0:
0x88: {  	s2 =	sld [smem:$0x3FD9]  }
0x89: {  	s3 =	sld [smem:$0x3FFE];
	_ =	sdelay $0x1  }
0x8a: {  	s1 =	srdreg.scid  }
0x8b: {  	s0 =	sand.u32 $0x1, s1  }
0x8c: {  	s17 =	sshll.u32 s0, $0xA;
	s2 =	sadd.s32 s3, s2  }
0x8d: {  	s2 =	sadd.s32 s2, s17  }
0x8e: {  	[smem:$0x3FC3] =	sst s2  }
0x8f: {  	_ = 	snop  }
0x90: {  	(tm) =	ssettm $0x1  }
0x91: {  	s18 =	sld [smem:$0x3FFB];
	_ =	sdelay $0x3  }
0x92: {  	_ =	strace s18  }
0x93: {  	s2 =	sld [smem:$0x3FFC];
	_ =	sdelay $0x3  }
0x94: {  	_ =	strace s2  }
0x95: {  	s2 =	sld [smem:$0x3FFD];
	_ =	sdelay $0x3  }
0x96: {  	_ =	strace s2  }
0x97: {  	_ =	strace $0x8FFFFFFF  }
0x98: {  	s19 =	sld [smem:$0x3FDB];
	_ =	sdelay $0x1  }
0x99: {  	s20 =	simm.s32 $_scs_section_size  }
0x9a: {  	s4 =	simm.s32 $_size__tile_overlayer_lowered;
	s5 =	simm.s32 $_tile_overlayer_lowered  }
0x9b: {  	s6 =	simm.s32 $0x1BFF;
	s21 =	sshll.u32 s5, $0x1;
	s3 =	sadd.s32 s20, s19  }
0x9c: {  	s22 =	simm.s32 $0x0;
	s4 =	sshll.u32 s4, $0x1;
	s5 =	sadd.s32 s21, s3  }
0x9d: {  	[timem:s22], [sflag:s6] =	dma.local [hbm:s5], s4  }
0x9e: {  	_ =	swait.ge [sflag:s6], s4  }
0x9f: {  	s4 =	ssub.s32 $0x0, s4;
	[sflag:s6] =	ssyncset.done $0x0  }
0xa0: {  	[sflag:s6] =	ssyncadd.s32 s4;
	_ =	sdelay $0x1  }
0xa1: {  	s23 =	simm.s32 $0x1B8B  }
0xa2: {  	_ =	swait.ge [sflag:s23], $0x1  }
0xa3: {  	[sflag:s23] =	ssyncset.done $0x0  }
0xa4: {  	[sflag:s23] =	ssyncadd.s32 $0xFFFFFFFF  }
0xa5: {  	s4 =	sld [smem:$0x0]  }
0xa6: {  	s5 =	sand.u32 $0xFFFFFFFE, s1  }
0xa7: {  	p0 =	sne.s32 s1, s5  }
0xa8: {  	s5 =	sshll.u32 @p0 s5, $0xE  }
0xa9: {  	s5 =	sadd.s32 @p0 $0x11B8D, s5;
	s6 =	sshll.u32 @p0 s4, $0x11  }
0xaa: {  	s5 =	sor.u32 @p0 s6, s5  }
0xab: {  	[sflag:s5] =	ssyncadd.remote.s32 @p0 $0x1;
	_ =	sdelay $0x1  }
0xac: {  	s5 =	simm.s32 @p0 $0x1B8D  }
0xad: {  	_ =	swait.eq @p0 [sflag:s5], $0x1  }
0xae: {  	[sflag:s5] =	ssyncadd.s32 @p0 $0xFFFFFFFF  }
0xaf: {  	s6 =	sshll.u32 @!p0 s1, $0xE  }
0xb0: {  	s6 =	sor.u32 @!p0 $0x4000, s6;
	s5 =	simm.s32 @!p0 $0x1B8D  }
0xb1: {  	s4 =	sshll.u32 @!p0 s4, $0x11;
	s6 =	sadd.s32 @!p0 $0x11B8D, s6;
	_ =	swait.eq @!p0 [sflag:s5], $0x1  }
0xb2: {  	s4 =	sor.u32 @!p0 s4, s6;
	[sflag:s5] =	ssyncadd.s32 @!p0 $0xFFFFFFFF  }
0xb3: {  	s25 =	simm.s32 $0x1B8E;
	s24 =	sld [smem:$0x3FFE];
	[sflag:s4] =	ssyncadd.remote.s32 @!p0 $0x1  }
0xb4: {  	s26 =	simm.s32 $execute0_lowered;
	[smem:$0x3FD2] =	sst s25  }
0xb5: {  	s5 =	sshll.u32 s26, $0x1;
	_ =	strace $0x8000004F;
	[dreg:$0x1] =	wrdreg $0xFFFFFFFF  }
0xb6: {  	s28 =	simm.s32 $_size_execute0_lowered;
	s3 =	sadd.s32 s3, s5;
	[dreg:$0x0] =	wrdreg $0x0  }
0xb7: {  	s5 =	sshll.u32 s28, $0x1;
	[dreg:$0x2] =	wrdreg s3  }
0xb8: {  	[dreg:$0x3] =	wrdreg s5  }
0xb9: {  	[dreg:$0x4] =	wrdreg $0xC0  }
0xba: {  	_ =	task [dreg:s22], $0x5FFFF  }
0xbb: {  	[dreg:$0x1] =	wrdreg $0xFFFFFFFF  }
0xbc: {  	[dreg:$0x0] =	wrdreg $0x60  }
0xbd: {  	[dreg:$0x2] =	wrdreg s24  }
0xbe: {  	[dreg:$0x3] =	wrdreg $0x9  }
0xbf: {  	_ =	task.clear_ibuf [dreg:s22], $0x4FFFF;
	_ =	strace $0x9000004F  }
0xc0: {  	s29 =	simm.s32 $0x9;
	_ =	strace $0x80000051  }
0xc1: {  	_ =	swait.ge [sflag:s29], $0x1  }
0xc2: {  	[sflag:s29] =	ssyncadd.s32 $0xFFFFFFFF  }
0xc3: {  	_ =	strace $0x90000051  }
0xc4: {  	_ =	sfence  }
0xc5: {  	s30 =	sld [smem:$0x0];
	_ =	sdelay $0x2  }
0xc6: {  	s31 =	sshll.u32 s1, $0xD;
	s1 =	sshrl.u32 s1, $0x2  }
0xc7: {  	s4 =	sand.u32 $0x4000, s31;
	s1 =	sadd.s32 s1, s30  }
0xc8: {  	s0 =	sor.u32 s4, s0;
	s1 =	sshll.u32 s1, $0x11  }
0xc9: {  	s0 =	sor.u32 s1, s0  }
0xca: {  	s0 =	sadd.s32 $0x8F2B, s0  }
0xcb: {  	[sflag:s0] =	ssyncadd.remote.s32 $0x1  }
0xcc: {  	_ =	sfence.sel $0xFFFF  }
0xcd: {  	[dreg:$0x0] =	wrdreg $0xFFFFFFFF;
	(pc) =	sbr.abs _section_cstart, $3  }
0xce: {  	[dreg:$0x1] =	wrdreg $0xFFFFFFFF  }
0xcf: {  	_ =	task.clear_ibuf [dreg:s22], $0x2FFFF;
	_ =	strace $0x9FFFFFFF  }
0xd0: {  	(tm) =	ssettm $0x7FFFFFFF  }
0xd1: {  	_ =	shalt  }
tec
execute0_lowered:
.L_overlay_start_1:
0x0: {  	(tag) =	ssettag $0x1  }
0x1: {  	s4 =	rddreg [dreg:$0x0]  }
0x2: {  	s0 =	rddreg [dreg:$0x1]  }
0x3: {  	s3 =	srdreg.scid;
	s1 =	stileid.u32  }
0x4: {  	s2 =	simm.s32 $0x0;
	s14 =	simm.s32 $0x1;
	s10 =	smul.u32 $0xC8000, s1  }
0x5: {  	s15 =	simm.s32 $0x2;
	s5 =	sand.u32 $0x1, s3;
	s25 =	smul.u32 $0x3200, s1  }
0x6: {  	s16 =	simm.s32 $0x1880;
	s24 =	sshll.u32 s1, $0x1;
	s12 =	smul.u32 $0x64000, s5  }
0x7: {  	s17 =	simm.s32 $0x0;
	s6 =	sor.u32 s5, s24;
	s28 =	smul.u32 $0x1900, s5  }
0x8: {  	[smem:$0x7FF] =	sst s2;
	s3 =	sadd.s32 $0xF44200, s4;
	s7 =	smul.u32 $0x1900, s6  }
0x9: {  	s13 =	sadd.s32 $0x4C4A00, s4;
	s9 =	ssub.s32 $0x2, s5;
	s8 =	smul.u32 $0x64000, s6  }
0xa: {  	_ =	strace $0x80000050;
	s11 =	sshrl.u32 s9, $0x1;
	s29 =	smul.u32 $0xC800, s6  }
0xb: {  	s9 =	ssub.s32 s9, s11;
	s30 =	sadd.s32 s12, s10;
	s12 =	simm.s32 $0x1900  }
0xc: {  	s7 =	sshrl.u32 s7, $0x3;
	s26 =	sshrl.u32 s8, $0x3;
	s5 =	smax.u32 s9, $0x1  }
0xd: {  	s8 =	sadd.s32 s28, s25;
	s9 =	sadd.s32 s13, s29;
	s10 =	sshrl.u32 s30, $0x3  }
0xe: {  	s7 =	sadd.s32 s7, s4;
	s11 =	sshll.u32 s8, $0x3;
	s8 =	sadd.s32 s10, s13  }
0xf: {  	s10 =	simm.s32 $0x3;
	s4 =	sadd.s32 $0x4BE600, s7;
	s7 =	sadd.s32 s13, s26  }
0x10: {  	s31 =	sadd.s32 s11, s13;
	s11 =	simm.s32 $0x80;
	s13 =	simm.s32 $0x3900  }
0x11: {  	s6 =	sadd.s32 $0xC000, s7;
	s7 =	sadd.s32 $0xC400, s9;
	s9 =	sadd.s32 $0x400, s31  }
.LBB2_1:
0x12: {  	[tilespmem:s2], [sflag:$0x3] =	stream.linear.gather [hbm4b:s4+s2], $0x1900, $0x38;
	[tilespmem:$0x5900] =	vst v63  }
0x13: {  	_ =	swait.ge [sflag:s10], $0x1900  }
0x14: {  	[sflag:s10] =	ssyncset.done $0x0  }
0x15: {  	[sflag:s10] =	ssyncadd.s32 $0xFFFFE700  }
0x16: {  	[tilespmem:s12], [sflag:$0x1] =	stream.indirect.gather [hbm4b:s3+s11], $0x40, s2, s11, $0xb8;
	[tilespmem:$0x5900] =	vst v63  }
0x17: {  	s18 =	simm.s32 $0x80  }
0x18: {  	[tilespmem:s13], [sflag:$0x2] =	stream.indirect.gather [hbm4b:s3+s11], $0x40, s18, s11, $0xb8;
	[tilespmem:$0x5900] =	vst v63  }
0x19: {  	_ =	swait.ge [sflag:s14], $0x2000  }
0x1a: {  	[sflag:s14] =	ssyncset.done $0x0  }
0x1b: {  	s29 =	sadd.s32 $0x0, s8;
	[sflag:s14] =	ssyncadd.s32 $0xFFFFE000  }
0x1c: {  	[hbm4b:s29+s2] =	stream.linear.scatter [tilespmem:s12], [sflag:$0x3], $0x2000, $0x38;
	[tilespmem:$0x5900] =	vst v63  }
0x1d: {  	_ =	swait.ge [sflag:s10], $0x2000  }
0x1e: {  	[sflag:s10] =	ssyncset.done $0x0  }
0x1f: {  	s30 =	simm.s32 $0x100;
	[sflag:s10] =	ssyncadd.s32 $0xFFFFE000  }
0x20: {  	[tilespmem:s12], [sflag:$0x1] =	stream.indirect.gather [hbm4b:s3+s11], $0x40, s30, s11, $0xb8;
	[tilespmem:$0x5900] =	vst v63  }
0x21: {  	_ =	swait.ge [sflag:s15], $0x2000  }
0x22: {  	[sflag:s15] =	ssyncset.done $0x0  }
0x23: {  	s31 =	sadd.s32 $0x0, s9;
	[sflag:s15] =	ssyncadd.s32 $0xFFFFE000  }
0x24: {  	[hbm4b:s31+s2] =	stream.linear.scatter [tilespmem:s13], [sflag:$0x3], $0x2000, $0x38;
	[tilespmem:$0x5900] =	vst v63  }
0x25: {  	s20 =	simm.s32 $0x1000;
	_ =	swait.ge [sflag:s10], $0x2000  }
0x26: {  	s19 =	simm.s32 $0x200;
	s18 =	simm.s32 $0x800;
	[sflag:s10] =	ssyncset.done $0x0  }
.LBB2_2:
0x27: {  	p0 =	sne.s32 s20, $0xB800;
	s21 =	sadd.s32 $0xFFFFFF80, s19;
	[sflag:s10] =	ssyncadd.s32 $0xFFFFE000  }
0x28: {  	[tilespmem:s13], [sflag:$0x2] =	stream.indirect.gather [hbm4b:s3+s11], $0x40, s21, s11, $0xb8;
	[tilespmem:$0x5900] =	vst v63  }
0x29: {  	s21 =	smov.u32 s20;
	s20 =	sadd.s32 $0x800, s20;
	_ =	swait.ge [sflag:s14], $0x2000  }
0x2a: {  	[sflag:s14] =	ssyncset.done $0x0  }
0x2b: {  	s22 =	sadd.s32 s18, s8;
	[sflag:s14] =	ssyncadd.s32 $0xFFFFE000  }
0x2c: {  	[hbm4b:s22+s2] =	stream.linear.scatter [tilespmem:s12], [sflag:$0x3], $0x2000, $0x38;
	[tilespmem:$0x5900] =	vst v63  }
0x2d: {  	_ =	swait.ge [sflag:s10], $0x2000  }
0x2e: {  	[sflag:s10] =	ssyncset.done $0x0  }
0x2f: {  	[sflag:s10] =	ssyncadd.s32 $0xFFFFE000  }
0x30: {  	[tilespmem:s12], [sflag:$0x1] =	stream.indirect.gather [hbm4b:s3+s11], $0x40, s19, s11, $0xb8;
	[tilespmem:$0x5900] =	vst v63  }
0x31: {  	_ =	swait.ge [sflag:s15], $0x2000  }
.Ltmp0:
0x32: {  	[sflag:s15] =	ssyncset.done $0x0;
	(pc) =	sbr.rel @p0 .LBB2_2-.Ltmp0, $4  }
0x33: {  	s22 =	sadd.s32 s18, s9;
	s18 =	smov.u32 s21;
	[sflag:s15] =	ssyncadd.s32 $0xFFFFE000  }
0x34: {  	[hbm4b:s22+s2] =	stream.linear.scatter [tilespmem:s13], [sflag:$0x3], $0x2000, $0x38;
	[tilespmem:$0x5900] =	vst v63  }
0x35: {  	_ =	swait.ge [sflag:s10], $0x2000  }
0x36: {  	s19 =	sadd.s32 $0x100, s19;
	[sflag:s10] =	ssyncset.done $0x0  }
0x37: {  	s20 =	sadd.s32 $0xFFFFFF80, s19;
	[sflag:s10] =	ssyncadd.s32 $0xFFFFE000  }
0x38: {  	[tilespmem:s13], [sflag:$0x2] =	stream.indirect.gather [hbm4b:s3+s11], $0x40, s20, s11, $0xb8;
	[tilespmem:$0x5900] =	vst v63  }
0x39: {  	_ =	swait.ge [sflag:s14], $0x2000  }
0x3a: {  	[sflag:s14] =	ssyncset.done $0x0  }
0x3b: {  	s30 =	sadd.s32 s18, s8;
	[sflag:s14] =	ssyncadd.s32 $0xFFFFE000  }
0x3c: {  	[hbm4b:s30+s2] =	stream.linear.scatter [tilespmem:s12], [sflag:$0x3], $0x2000, $0x38;
	[tilespmem:$0x5900] =	vst v63  }
0x3d: {  	_ =	swait.ge [sflag:s10], $0x2000  }
0x3e: {  	[sflag:s10] =	ssyncset.done $0x0  }
0x3f: {  	[sflag:s10] =	ssyncadd.s32 $0xFFFFE000  }
0x40: {  	[tilespmem:s12], [sflag:$0x1] =	stream.indirect.gather [hbm4b:s3+s11], $0x40, s19, s11, $0xb8;
	[tilespmem:$0x5900] =	vst v63  }
0x41: {  	_ =	swait.ge [sflag:s15], $0x2000  }
0x42: {  	[sflag:s15] =	ssyncset.done $0x0  }
0x43: {  	s31 =	sadd.s32 s18, s9;
	[sflag:s15] =	ssyncadd.s32 $0xFFFFE000  }
0x44: {  	[hbm4b:s31+s2] =	stream.linear.scatter [tilespmem:s13], [sflag:$0x3], $0x2000, $0x38;
	[tilespmem:$0x5900] =	vst v63  }
0x45: {  	_ =	swait.ge [sflag:s10], $0x2000  }
0x46: {  	[sflag:s10] =	ssyncset.done $0x0  }
0x47: {  	[sflag:s10] =	ssyncadd.s32 $0xFFFFE000  }
0x48: {  	[tilespmem:s13], [sflag:$0x2] =	stream.indirect.gather [hbm4b:s3+s11], $0x40, s16, s11, $0xb8;
	[tilespmem:$0x5900] =	vst v63  }
0x49: {  	_ =	swait.ge [sflag:s14], $0x2000  }
0x4a: {  	[sflag:s14] =	ssyncset.done $0x0  }
0x4b: {  	[sflag:s14] =	ssyncadd.s32 $0xFFFFE000  }
0x4c: {  	[hbm4b:s6+s2] =	stream.linear.scatter [tilespmem:s12], [sflag:$0x3], $0x2000, $0x38;
	[tilespmem:$0x5900] =	vst v63  }
0x4d: {  	_ =	swait.ge [sflag:s10], $0x2000  }
0x4e: {  	[sflag:s10] =	ssyncset.done $0x0  }
0x4f: {  	[sflag:s10] =	ssyncadd.s32 $0xFFFFE000  }
0x50: {  	s17 =	sadd.s32 $0x1, s17;
	_ =	swait.ge [sflag:s15], $0x2000  }
0x51: {  	p0 =	sne.s32 s17, s5;
	[sflag:s15] =	ssyncset.done $0x0  }
.Ltmp1:
0x52: {  	[sflag:s15] =	ssyncadd.s32 $0xFFFFE000;
	(pc) =	sbr.rel @p0 .LBB2_1-.Ltmp1, $4  }
0x53: {  	[hbm4b:s7+s2] =	stream.linear.scatter [tilespmem:s13], [sflag:$0x3], $0x2000, $0x38;
	[tilespmem:$0x5900] =	vst v63  }
0x54: {  	_ =	swait.ge [sflag:s10], $0x2000  }
0x55: {  	[sflag:s10] =	ssyncset.done $0x0  }
0x56: {  	[sflag:s10] =	ssyncadd.s32 $0xFFFFE000  }
0x57: {  	_ =	sfence.sel $0x180000  }
0x58: {  	[bflag:$0x0] =	sbarrier.arrive $0xFFFF  }
0x59: {  	p0 =	sne.s32 s1, $0x0;
	_ =	strace $0x90000050  }
0x5a: {  	s0 =	sadd.s32 @!p0 $0x100000, s0;
	[bflag:$0x2] =	sbarrier.arrive $0xFFFF  }
0x5b: {  	[sflag:s0] =	ssyncadd.tile.s32 @!p0 $0x1;
	_ =	shalt  }
.Lfunc_end2:
_tile_overlayer_lowered:
.L_overlay_start_2:
0x5c: {  	(tag) =	ssettag $0x2  }
0x5d: {  	s0 =	rddreg [dreg:$0x0];
	s2 =	stileid.u32  }
0x5e: {  	s1 =	rddreg [dreg:$0x1];
	p0 =	sne.s32 s2, $0x0  }
0x5f: {  	s3 =	rddreg [dreg:$0x2];
	[bflag:$0x3] =	sbarrier.arrive $0xFFFF;
	s2 =	simm.s32 @!p0 $0x1C03  }
0x60: {  	[timem:s3], [sflag:s2] =	dma.local @!p0 [hbm:s0], s1  }
0x61: {  	s0 =	simm.s32 @!p0 $0x3  }
0x62: {  	_ =	swait.ge @!p0 [sflag:s0], s1  }
0x63: {  	s1 =	ssub.s32 @!p0 $0x0, s1;
	[sflag:s0] =	ssyncset.done @!p0 $0x0  }
0x64: {  	[sflag:s0] =	ssyncadd.s32 @!p0 s1  }
0x65: {  	[bflag:$0x3] =	sbarrier.arrive $0xFFFF  }
0x66: {  	_ =	shalt  }

// kernel: kernel.13.cloned.1.call-start
scs
__scs_entry_jumppad:
0x0: {  	(pc) =	sbr.rel $0x88, $3  }
0x1: {  	(tag) =	ssettag $0x0;
	lr =	simm.s32 $0x1  }
0x2: {  	[smem:$0x3F9C] =	sst lr;
	_ =	strace $0xD0000000  }
0x3: {  	_ = 	snop  }
0x4: {  	_ = 	snop  }
0x5: {  	_ = 	snop  }
0x6: {  	_ = 	snop  }
0x7: {  	_ = 	snop  }
__scs_overlays_trampoline_lowered:
0x8: {  	[smem:$0x3FAB] =	sst s0  }
0x9: {  	[smem:$0x3FAC] =	sst s1  }
0xa: {  	[smem:$0x3FAD] =	sst s2  }
0xb: {  	[smem:$0x3FAE] =	sst s3  }
0xc: {  	[smem:$0x3FAF] =	sst s4  }
0xd: {  	[smem:$0x3FB0] =	sst s5  }
0xe: {  	[smem:$0x3FB1] =	sst s6  }
0xf: {  	[smem:$0x3FB2] =	sst s7  }
0x10: {  	[smem:$0x3FB3] =	sst s8  }
0x11: {  	[smem:$0x3FB4] =	sst s9;
	s0 =	simm.s32 @!p0 $0x0  }
0x12: {  	s1 =	sld [smem:$0x3F9A];
	s0 =	simm.s32 @p0 $0x1  }
0x13: {  	[smem:$0x3FB5] =	sst s0;
	s0 =	simm.s32 @!p1 $0x0  }
0x14: {  	s2 =	sld [smem:$0x3F99];
	s0 =	simm.s32 @p1 $0x1  }
0x15: {  	[smem:$0x3FB6] =	sst s0;
	s0 =	simm.s32 @!p2 $0x0  }
0x16: {  	s3 =	sld [smem:$0x3FDB];
	s0 =	simm.s32 @p2 $0x1  }
0x17: {  	s4 =	simm.s32 $0x1BF5;
	[smem:$0x3FB8] =	sst s0  }
0x18: {  	s0 =	sld [smem:$0x3F9B];
	_ =	swait.ge [sflag:s4], $0x0  }
0x19: {  	s7 =	sld [smem:$0x3F9C]  }
0x1a: {  	s8 =	sadd.s32 $0xFFFFE003, lr  }
0x1b: {  	s9 =	sadd.s32 $0xFFFFFEF7, lr;
	s5 =	simm.s32 $0xFFFFFFFF;
	p2 =	slt.u32 s8, $0xFFFFF086  }
0x1c: {  	p1 =	slt.u32 s9, $0xF7A;
	s5 =	simm.s32 @!p2 $0x0  }
0x1d: {  	s5 =	simm.s32 @p1 $0x1;
	p0 =	seq.s32 s7, s2  }
0x1e: {  	s7 =	smul.u32 @!p0 $0xF7A, s2;
	p2 =	seq.s32 @!p0 s5, $0x0  }
0x1f: {  	s9 =	smul.u32 $0xF7A, s1;
	s8 =	simm.s32 @!p0 $0x1BF5;
	p2 =	por !p2, p0  }
0x20: {  	[sflag:s8] =	ssyncset.s32 @!p0 $0xFFFFF086;
	s6 =	sadd.s32 @!p0 s3, s7;
	s7 =	simm.s32 @!p0 $0x108  }
0x21: {  	s3 =	sadd.s32 s3, s9;
	s6 =	sadd.s32 @!p0 $0x88, s6;
	s7 =	simm.s32 @p2 $0x1082  }
0x22: {  	[simem:s7], [sflag:s8] =	dma.local @!p0 [hbm:s6], $0xF7A  }
0x23: {  	s9 =	sor.u32 $0xD0000000, s2;
	s6 =	simm.s32 $0x108;
	_ =	swait.ge @!p0 [sflag:s8], $0x0  }
0x24: {  	s3 =	sadd.s32 $0x88, s3;
	s6 =	simm.s32 @!p1 $0x1082;
	[sflag:s4] =	ssyncset.s32 $0xFFFFF086  }
0x25: {  	[simem:s6], [sflag:s4] =	dma.local [hbm:s3], $0xF7A  }
0x26: {  	[smem:$0x3F9C] =	sst s1;
	(tag) =	ssettag s2;
	_ =	strace s9  }
0x27: {  	s1 =	sld [smem:$0x3FAC]  }
0x28: {  	s2 =	sld [smem:$0x3FAD]  }
0x29: {  	s4 =	sld [smem:$0x3FAF]  }
0x2a: {  	p0 =	seq.s32 s5, $0x0;
	s5 =	sld [smem:$0x3FB0]  }
0x2b: {  	s6 =	sld [smem:$0x3FB1]  }
0x2c: {  	s7 =	sld [smem:$0x3FB2]  }
0x2d: {  	s3 =	simm.s32 $0x108;
	s8 =	sld [smem:$0x3FB3]  }
0x2e: {  	s3 =	simm.s32 @!p0 $0x1082;
	s9 =	sld [smem:$0x3FB4]  }
0x2f: {  	lr =	sadd.s32 s0, s3;
	s0 =	sld [smem:$0x3FAB]  }
0x30: {  	s3 =	sld [smem:$0x3FAE]  }
0x31: {  	[smem:$0x3FB7] =	sst s10  }
0x32: {  	s10 =	sld [smem:$0x3FB5];
	_ =	sdelay $0x3  }
0x33: {  	p0 =	seq.s32 s10, $0x1;
	s10 =	sld [smem:$0x3FB7];
	_ =	sdelay $0x3  }
0x34: {  	[smem:$0x3FB7] =	sst s10  }
0x35: {  	s10 =	sld [smem:$0x3FB6];
	_ =	sdelay $0x3  }
0x36: {  	p1 =	seq.s32 s10, $0x1;
	s10 =	sld [smem:$0x3FB7];
	_ =	sdelay $0x3  }
0x37: {  	[smem:$0x3FB7] =	sst s10  }
0x38: {  	s10 =	sld [smem:$0x3FB8]  }
0x39: {  	_ = 	snop;
	(pc) =	sbr.ind lr, $3  }
0x3a: {  	_ = 	snop  }
0x3b: {  	_ = 	snop  }
0x3c: {  	p2 =	seq.s32 s10, $0x1;
	s10 =	sld [smem:$0x3FB7]  }
0x3d: {  	_ =	shalt  }
0x3e: {  	_ =	shalt  }
0x3f: {  	_ =	shalt  }
0x40: {  	_ =	shalt  }
0x41: {  	_ =	shalt  }
0x42: {  	_ =	shalt  }
0x43: {  	_ =	shalt  }
0x44: {  	_ =	shalt  }
0x45: {  	_ =	shalt  }
0x46: {  	_ =	shalt  }
0x47: {  	_ =	shalt  }
0x48: {  	_ =	shalt  }
0x49: {  	_ =	shalt  }
0x4a: {  	_ =	shalt  }
0x4b: {  	_ =	shalt  }
0x4c: {  	_ =	shalt  }
0x4d: {  	_ =	shalt  }
0x4e: {  	_ =	shalt  }
0x4f: {  	_ =	shalt  }
0x50: {  	_ =	shalt  }
0x51: {  	_ =	shalt  }
0x52: {  	_ =	shalt  }
0x53: {  	_ =	shalt  }
0x54: {  	_ =	shalt  }
0x55: {  	_ =	shalt  }
0x56: {  	_ =	shalt  }
0x57: {  	_ =	shalt  }
0x58: {  	_ =	shalt  }
0x59: {  	_ =	shalt  }
0x5a: {  	_ =	shalt  }
0x5b: {  	_ =	shalt  }
0x5c: {  	_ =	shalt  }
0x5d: {  	_ =	shalt  }
0x5e: {  	_ =	shalt  }
0x5f: {  	_ =	shalt  }
0x60: {  	_ =	shalt  }
0x61: {  	_ =	shalt  }
0x62: {  	_ =	shalt  }
0x63: {  	_ =	shalt  }
0x64: {  	_ =	shalt  }
0x65: {  	_ =	shalt  }
0x66: {  	_ =	shalt  }
0x67: {  	_ =	shalt  }
0x68: {  	_ =	shalt  }
0x69: {  	_ =	shalt  }
0x6a: {  	_ =	shalt  }
0x6b: {  	_ =	shalt  }
0x6c: {  	_ =	shalt  }
0x6d: {  	_ =	shalt  }
0x6e: {  	_ =	shalt  }
0x6f: {  	_ =	shalt  }
0x70: {  	_ =	shalt  }
0x71: {  	_ =	shalt  }
0x72: {  	_ =	shalt  }
0x73: {  	_ =	shalt  }
0x74: {  	_ =	shalt  }
0x75: {  	_ =	shalt  }
0x76: {  	_ =	shalt  }
0x77: {  	_ =	shalt  }
0x78: {  	_ =	shalt  }
0x79: {  	_ =	shalt  }
0x7a: {  	_ =	shalt  }
0x7b: {  	_ =	shalt  }
0x7c: {  	_ =	shalt  }
0x7d: {  	_ =	shalt  }
0x7e: {  	_ =	shalt  }
0x7f: {  	_ =	shalt  }
0x80: {  	_ =	shalt  }
0x81: {  	_ =	shalt  }
0x82: {  	_ =	shalt  }
0x83: {  	_ =	shalt  }
0x84: {  	_ =	shalt  }
0x85: {  	_ =	shalt  }
0x86: {  	_ =	shalt  }
0x87: {  	_ =	shalt  }
.Lfunc_end0:
.L_simem_size_0:
called_computation.1_lowered:
.L_overlay_start_0:
0x88: {  	s2 =	sld [smem:$0x3FD9]  }
0x89: {  	s3 =	sld [smem:$0x3FFE];
	_ =	sdelay $0x1  }
0x8a: {  	s1 =	srdreg.scid  }
0x8b: {  	s0 =	sand.u32 $0x1, s1  }
0x8c: {  	s17 =	sshll.u32 s0, $0xA;
	s2 =	sadd.s32 s3, s2  }
0x8d: {  	s2 =	sadd.s32 s2, s17  }
0x8e: {  	[smem:$0x3FC3] =	sst s2  }
0x8f: {  	_ = 	snop  }
0x90: {  	s2 =	sld [smem:$0x3FD0];
	(tm) =	ssettm $0x1  }
0x91: {  	s18 =	sld [smem:$0x3FFB];
	_ =	sdelay $0x3  }
0x92: {  	_ =	strace s18  }
0x93: {  	s3 =	sld [smem:$0x3FFC];
	_ =	sdelay $0x3  }
0x94: {  	_ =	strace s3  }
0x95: {  	s3 =	sld [smem:$0x3FFD];
	_ =	sdelay $0x3  }
0x96: {  	_ =	strace s3  }
0x97: {  	_ =	strace $0x8FFFFFFF  }
0x98: {  	s19 =	sld [smem:$0x3FDB];
	_ =	sdelay $0x1  }
0x99: {  	s4 =	simm.s32 $_scs_section_size  }
0x9a: {  	s5 =	simm.s32 $_size__tile_overlayer_lowered;
	s6 =	simm.s32 $_tile_overlayer_lowered  }
0x9b: {  	s22 =	simm.s32 $0x1BFF;
	s21 =	sshll.u32 s6, $0x1;
	s3 =	sadd.s32 s4, s19  }
0x9c: {  	s7 =	simm.s32 $0x0;
	s20 =	sshll.u32 s5, $0x1;
	s5 =	sadd.s32 s21, s3  }
0x9d: {  	[timem:s7], [sflag:s22] =	dma.local [hbm:s5], s20  }
0x9e: {  	_ =	swait.ge [sflag:s22], s20  }
0x9f: {  	s4 =	ssub.s32 $0x0, s20;
	[sflag:s22] =	ssyncset.done $0x0  }
0xa0: {  	[sflag:s22] =	ssyncadd.s32 s4;
	_ =	sdelay $0x1  }
0xa1: {  	s23 =	simm.s32 $0x1B8B  }
0xa2: {  	_ =	swait.ge [sflag:s23], $0x1  }
0xa3: {  	[sflag:s23] =	ssyncset.done $0x0  }
0xa4: {  	s25 =	simm.s32 $0x1B8E;
	s24 =	sld [smem:$0x3FFE];
	[sflag:s23] =	ssyncadd.s32 $0xFFFFFFFF  }
0xa5: {  	s26 =	simm.s32 $execute0_lowered;
	[smem:$0x3FD2] =	sst s25  }
0xa6: {  	s5 =	sshll.u32 s26, $0x1;
	_ =	strace $0x80000046;
	[dreg:$0x1] =	wrdreg $0xFFFFFFFF  }
0xa7: {  	s28 =	simm.s32 $_size_execute0_lowered;
	s3 =	sadd.s32 s3, s5;
	[dreg:$0x0] =	wrdreg $0x0  }
0xa8: {  	s5 =	sshll.u32 s28, $0x1;
	[dreg:$0x2] =	wrdreg s3  }
0xa9: {  	[dreg:$0x3] =	wrdreg s5  }
0xaa: {  	[dreg:$0x4] =	wrdreg $0xC0  }
0xab: {  	_ =	task [dreg:s7], $0x5FFFF  }
0xac: {  	[dreg:$0x1] =	wrdreg $0xFFFFFFFF  }
0xad: {  	[dreg:$0x0] =	wrdreg $0x60  }
0xae: {  	[dreg:$0x2] =	wrdreg s24  }
0xaf: {  	[dreg:$0x3] =	wrdreg s2  }
0xb0: {  	[dreg:$0x4] =	wrdreg $0xA  }
0xb1: {  	_ =	task.clear_ibuf [dreg:s7], $0x5FFFF;
	_ =	strace $0x90000046  }
0xb2: {  	s29 =	simm.s32 $0xA;
	_ =	strace $0x80000048  }
0xb3: {  	_ =	swait.ge [sflag:s29], $0x1  }
0xb4: {  	[sflag:s29] =	ssyncadd.s32 $0xFFFFFFFF  }
0xb5: {  	_ =	strace $0x90000048  }
0xb6: {  	_ =	sfence  }
0xb7: {  	s30 =	sld [smem:$0x0];
	_ =	sdelay $0x2  }
0xb8: {  	s31 =	sshll.u32 s1, $0xD;
	s1 =	sshrl.u32 s1, $0x2  }
0xb9: {  	s3 =	sand.u32 $0x4000, s31;
	s1 =	sadd.s32 s1, s30  }
0xba: {  	s0 =	sor.u32 s3, s0;
	s1 =	sshll.u32 s1, $0x11  }
0xbb: {  	s0 =	sor.u32 s1, s0  }
0xbc: {  	s0 =	sadd.s32 $0x8F2B, s0  }
0xbd: {  	[sflag:s0] =	ssyncadd.remote.s32 $0x1  }
0xbe: {  	_ =	sfence.sel $0xFFFF  }
0xbf: {  	[dreg:$0x0] =	wrdreg $0xFFFFFFFF;
	(pc) =	sbr.abs _section_cstart, $3  }
0xc0: {  	[dreg:$0x1] =	wrdreg $0xFFFFFFFF  }
0xc1: {  	_ =	task.clear_ibuf [dreg:s7], $0x2FFFF;
	_ =	strace $0x9FFFFFFF  }
0xc2: {  	(tm) =	ssettm $0x7FFFFFFF  }
0xc3: {  	_ =	shalt  }
tec
execute0_lowered:
.L_overlay_start_1:
0x0: {  	(tag) =	ssettag $0x1  }
0x1: {  	s4 =	rddreg [dreg:$0x0];
	s1 =	srdreg.scid  }
0x2: {  	s0 =	stileid.u32;
	s5 =	rddreg [dreg:$0x1]  }
0x3: {  	s2 =	simm.s32 $0x0;
	s15 =	simm.s32 $0x2;
	s11 =	smul.u32 $0xC8000, s0  }
0x4: {  	s16 =	simm.s32 $0x1880;
	s6 =	sand.u32 $0x1, s1;
	s26 =	smul.u32 $0x3200, s0  }
0x5: {  	s17 =	simm.s32 $0x0;
	s3 =	sshll.u32 s0, $0x1;
	s13 =	smul.u32 $0x64000, s6  }
0x6: {  	s1 =	rddreg [dreg:$0x2];
	s7 =	sor.u32 s6, s3;
	s14 =	smul.u32 $0x1900, s6  }
0x7: {  	[smem:$0x7FF] =	sst s2;
	s12 =	sadd.s32 $0xE600, s4;
	s8 =	smul.u32 $0x1900, s7  }
0x8: {  	_ =	strace $0x80000047;
	s10 =	ssub.s32 $0x2, s6;
	s9 =	smul.u32 $0x64000, s7  }
0x9: {  	s3 =	sadd.s32 $0xF44200, s4;
	s24 =	sshrl.u32 s10, $0x1;
	s7 =	smul.u32 $0xC800, s7  }
0xa: {  	s10 =	ssub.s32 s10, s24;
	s29 =	sadd.s32 s13, s11;
	s11 =	simm.s32 $0x80  }
0xb: {  	s13 =	simm.s32 $0x3900;
	s25 =	sshrl.u32 s8, $0x3;
	s9 =	sshrl.u32 s9, $0x3  }
0xc: {  	s8 =	sadd.s32 s14, s26;
	s7 =	sadd.s32 s12, s7;
	s14 =	simm.s32 $0x1  }
0xd: {  	s4 =	sadd.s32 s5, s25;
	s5 =	smax.u32 s10, $0x1;
	s28 =	sadd.s32 s12, s9  }
0xe: {  	s9 =	sshrl.u32 s29, $0x3;
	s30 =	sshll.u32 s8, $0x3;
	s7 =	sadd.s32 $0xC400, s7  }
0xf: {  	s10 =	simm.s32 $0x3;
	s6 =	sadd.s32 $0xC000, s28;
	s31 =	sadd.s32 s30, s12  }
0x10: {  	s8 =	sadd.s32 s9, s12;
	s12 =	simm.s32 $0x1900;
	s9 =	sadd.s32 $0x400, s31  }
.LBB2_1:
0x11: {  	[tilespmem:s2], [sflag:$0x3] =	stream.linear.gather [hbm4b:s4+s2], $0x1900, $0x38;
	[tilespmem:$0x5900] =	vst v63  }
0x12: {  	_ =	swait.ge [sflag:s10], $0x1900  }
0x13: {  	[sflag:s10] =	ssyncset.done $0x0  }
0x14: {  	[sflag:s10] =	ssyncadd.s32 $0xFFFFE700  }
0x15: {  	[tilespmem:s12], [sflag:$0x1] =	stream.indirect.gather [hbm4b:s3+s11], $0x40, s2, s11, $0xb8;
	[tilespmem:$0x5900] =	vst v63  }
0x16: {  	s18 =	simm.s32 $0x80  }
0x17: {  	[tilespmem:s13], [sflag:$0x2] =	stream.indirect.gather [hbm4b:s3+s11], $0x40, s18, s11, $0xb8;
	[tilespmem:$0x5900] =	vst v63  }
0x18: {  	_ =	swait.ge [sflag:s14], $0x2000  }
0x19: {  	[sflag:s14] =	ssyncset.done $0x0  }
0x1a: {  	s29 =	sadd.s32 $0x0, s8;
	[sflag:s14] =	ssyncadd.s32 $0xFFFFE000  }
0x1b: {  	[hbm4b:s29+s2] =	stream.linear.scatter [tilespmem:s12], [sflag:$0x3], $0x2000, $0x38;
	[tilespmem:$0x5900] =	vst v63  }
0x1c: {  	_ =	swait.ge [sflag:s10], $0x2000  }
0x1d: {  	[sflag:s10] =	ssyncset.done $0x0  }
0x1e: {  	s30 =	simm.s32 $0x100;
	[sflag:s10] =	ssyncadd.s32 $0xFFFFE000  }
0x1f: {  	[tilespmem:s12], [sflag:$0x1] =	stream.indirect.gather [hbm4b:s3+s11], $0x40, s30, s11, $0xb8;
	[tilespmem:$0x5900] =	vst v63  }
0x20: {  	_ =	swait.ge [sflag:s15], $0x2000  }
0x21: {  	[sflag:s15] =	ssyncset.done $0x0  }
0x22: {  	s31 =	sadd.s32 $0x0, s9;
	[sflag:s15] =	ssyncadd.s32 $0xFFFFE000  }
0x23: {  	[hbm4b:s31+s2] =	stream.linear.scatter [tilespmem:s13], [sflag:$0x3], $0x2000, $0x38;
	[tilespmem:$0x5900] =	vst v63  }
0x24: {  	s20 =	simm.s32 $0x1000;
	_ =	swait.ge [sflag:s10], $0x2000  }
0x25: {  	s19 =	simm.s32 $0x200;
	s18 =	simm.s32 $0x800;
	[sflag:s10] =	ssyncset.done $0x0  }
.LBB2_2:
0x26: {  	p0 =	sne.s32 s20, $0xB800;
	s21 =	sadd.s32 $0xFFFFFF80, s19;
	[sflag:s10] =	ssyncadd.s32 $0xFFFFE000  }
0x27: {  	[tilespmem:s13], [sflag:$0x2] =	stream.indirect.gather [hbm4b:s3+s11], $0x40, s21, s11, $0xb8;
	[tilespmem:$0x5900] =	vst v63  }
0x28: {  	s21 =	smov.u32 s20;
	s20 =	sadd.s32 $0x800, s20;
	_ =	swait.ge [sflag:s14], $0x2000  }
0x29: {  	[sflag:s14] =	ssyncset.done $0x0  }
0x2a: {  	s22 =	sadd.s32 s18, s8;
	[sflag:s14] =	ssyncadd.s32 $0xFFFFE000  }
0x2b: {  	[hbm4b:s22+s2] =	stream.linear.scatter [tilespmem:s12], [sflag:$0x3], $0x2000, $0x38;
	[tilespmem:$0x5900] =	vst v63  }
0x2c: {  	_ =	swait.ge [sflag:s10], $0x2000  }
0x2d: {  	[sflag:s10] =	ssyncset.done $0x0  }
0x2e: {  	[sflag:s10] =	ssyncadd.s32 $0xFFFFE000  }
0x2f: {  	[tilespmem:s12], [sflag:$0x1] =	stream.indirect.gather [hbm4b:s3+s11], $0x40, s19, s11, $0xb8;
	[tilespmem:$0x5900] =	vst v63  }
0x30: {  	_ =	swait.ge [sflag:s15], $0x2000  }
.Ltmp0:
0x31: {  	[sflag:s15] =	ssyncset.done $0x0;
	(pc) =	sbr.rel @p0 .LBB2_2-.Ltmp0, $4  }
0x32: {  	s22 =	sadd.s32 s18, s9;
	s18 =	smov.u32 s21;
	[sflag:s15] =	ssyncadd.s32 $0xFFFFE000  }
0x33: {  	[hbm4b:s22+s2] =	stream.linear.scatter [tilespmem:s13], [sflag:$0x3], $0x2000, $0x38;
	[tilespmem:$0x5900] =	vst v63  }
0x34: {  	_ =	swait.ge [sflag:s10], $0x2000  }
0x35: {  	s19 =	sadd.s32 $0x100, s19;
	[sflag:s10] =	ssyncset.done $0x0  }
0x36: {  	s20 =	sadd.s32 $0xFFFFFF80, s19;
	[sflag:s10] =	ssyncadd.s32 $0xFFFFE000  }
0x37: {  	[tilespmem:s13], [sflag:$0x2] =	stream.indirect.gather [hbm4b:s3+s11], $0x40, s20, s11, $0xb8;
	[tilespmem:$0x5900] =	vst v63  }
0x38: {  	_ =	swait.ge [sflag:s14], $0x2000  }
0x39: {  	[sflag:s14] =	ssyncset.done $0x0  }
0x3a: {  	s30 =	sadd.s32 s18, s8;
	[sflag:s14] =	ssyncadd.s32 $0xFFFFE000  }
0x3b: {  	[hbm4b:s30+s2] =	stream.linear.scatter [tilespmem:s12], [sflag:$0x3], $0x2000, $0x38;
	[tilespmem:$0x5900] =	vst v63  }
0x3c: {  	_ =	swait.ge [sflag:s10], $0x2000  }
0x3d: {  	[sflag:s10] =	ssyncset.done $0x0  }
0x3e: {  	[sflag:s10] =	ssyncadd.s32 $0xFFFFE000  }
0x3f: {  	[tilespmem:s12], [sflag:$0x1] =	stream.indirect.gather [hbm4b:s3+s11], $0x40, s19, s11, $0xb8;
	[tilespmem:$0x5900] =	vst v63  }
0x40: {  	_ =	swait.ge [sflag:s15], $0x2000  }
0x41: {  	[sflag:s15] =	ssyncset.done $0x0  }
0x42: {  	s31 =	sadd.s32 s18, s9;
	[sflag:s15] =	ssyncadd.s32 $0xFFFFE000  }
0x43: {  	[hbm4b:s31+s2] =	stream.linear.scatter [tilespmem:s13], [sflag:$0x3], $0x2000, $0x38;
	[tilespmem:$0x5900] =	vst v63  }
0x44: {  	_ =	swait.ge [sflag:s10], $0x2000  }
0x45: {  	[sflag:s10] =	ssyncset.done $0x0  }
0x46: {  	[sflag:s10] =	ssyncadd.s32 $0xFFFFE000  }
0x47: {  	[tilespmem:s13], [sflag:$0x2] =	stream.indirect.gather [hbm4b:s3+s11], $0x40, s16, s11, $0xb8;
	[tilespmem:$0x5900] =	vst v63  }
0x48: {  	_ =	swait.ge [sflag:s14], $0x2000  }
0x49: {  	[sflag:s14] =	ssyncset.done $0x0  }
0x4a: {  	[sflag:s14] =	ssyncadd.s32 $0xFFFFE000  }
0x4b: {  	[hbm4b:s6+s2] =	stream.linear.scatter [tilespmem:s12], [sflag:$0x3], $0x2000, $0x38;
	[tilespmem:$0x5900] =	vst v63  }
0x4c: {  	_ =	swait.ge [sflag:s10], $0x2000  }
0x4d: {  	[sflag:s10] =	ssyncset.done $0x0  }
0x4e: {  	[sflag:s10] =	ssyncadd.s32 $0xFFFFE000  }
0x4f: {  	s17 =	sadd.s32 $0x1, s17;
	_ =	swait.ge [sflag:s15], $0x2000  }
0x50: {  	p0 =	sne.s32 s17, s5;
	[sflag:s15] =	ssyncset.done $0x0  }
.Ltmp1:
0x51: {  	[sflag:s15] =	ssyncadd.s32 $0xFFFFE000;
	(pc) =	sbr.rel @p0 .LBB2_1-.Ltmp1, $4  }
0x52: {  	[hbm4b:s7+s2] =	stream.linear.scatter [tilespmem:s13], [sflag:$0x3], $0x2000, $0x38;
	[tilespmem:$0x5900] =	vst v63  }
0x53: {  	_ =	swait.ge [sflag:s10], $0x2000  }
0x54: {  	[sflag:s10] =	ssyncset.done $0x0  }
0x55: {  	[sflag:s10] =	ssyncadd.s32 $0xFFFFE000  }
0x56: {  	_ =	sfence.sel $0x180000  }
0x57: {  	[bflag:$0x0] =	sbarrier.arrive $0xFFFF  }
0x58: {  	p0 =	sne.s32 s0, $0x0;
	_ =	strace $0x90000047  }
0x59: {  	s0 =	sadd.s32 @!p0 $0x100000, s1;
	[bflag:$0x2] =	sbarrier.arrive $0xFFFF  }
0x5a: {  	[sflag:s0] =	ssyncadd.tile.s32 @!p0 $0x1;
	_ =	shalt  }
.Lfunc_end2:
_tile_overlayer_lowered:
.L_overlay_start_2:
0x5b: {  	(tag) =	ssettag $0x2  }
0x5c: {  	s0 =	rddreg [dreg:$0x0];
	s2 =	stileid.u32  }
0x5d: {  	s1 =	rddreg [dreg:$0x1];
	p0 =	sne.s32 s2, $0x0  }
0x5e: {  	s3 =	rddreg [dreg:$0x2];
	[bflag:$0x3] =	sbarrier.arrive $0xFFFF;
	s2 =	simm.s32 @!p0 $0x1C03  }
0x5f: {  	[timem:s3], [sflag:s2] =	dma.local @!p0 [hbm:s0], s1  }
0x60: {  	s0 =	simm.s32 @!p0 $0x3  }
0x61: {  	_ =	swait.ge @!p0 [sflag:s0], s1  }
0x62: {  	s1 =	ssub.s32 @!p0 $0x0, s1;
	[sflag:s0] =	ssyncset.done @!p0 $0x0  }
0x63: {  	[sflag:s0] =	ssyncadd.s32 @!p0 s1  }
0x64: {  	[bflag:$0x3] =	sbarrier.arrive $0xFFFF  }
0x65: {  	_ =	shalt  }

// kernel: kernel.16.cloned.1.call-start
scs
__scs_entry_jumppad:
0x0: {  	(pc) =	sbr.rel $0x88, $3  }
0x1: {  	(tag) =	ssettag $0x0;
	lr =	simm.s32 $0x1  }
0x2: {  	[smem:$0x3F9C] =	sst lr;
	_ =	strace $0xD0000000  }
0x3: {  	_ = 	snop  }
0x4: {  	_ = 	snop  }
0x5: {  	_ = 	snop  }
0x6: {  	_ = 	snop  }
0x7: {  	_ = 	snop  }
__scs_overlays_trampoline_lowered:
0x8: {  	[smem:$0x3FAB] =	sst s0  }
0x9: {  	[smem:$0x3FAC] =	sst s1  }
0xa: {  	[smem:$0x3FAD] =	sst s2  }
0xb: {  	[smem:$0x3FAE] =	sst s3  }
0xc: {  	[smem:$0x3FAF] =	sst s4  }
0xd: {  	[smem:$0x3FB0] =	sst s5  }
0xe: {  	[smem:$0x3FB1] =	sst s6  }
0xf: {  	[smem:$0x3FB2] =	sst s7  }
0x10: {  	[smem:$0x3FB3] =	sst s8  }
0x11: {  	[smem:$0x3FB4] =	sst s9;
	s0 =	simm.s32 @!p0 $0x0  }
0x12: {  	s1 =	sld [smem:$0x3F9A];
	s0 =	simm.s32 @p0 $0x1  }
0x13: {  	[smem:$0x3FB5] =	sst s0;
	s0 =	simm.s32 @!p1 $0x0  }
0x14: {  	s2 =	sld [smem:$0x3F99];
	s0 =	simm.s32 @p1 $0x1  }
0x15: {  	[smem:$0x3FB6] =	sst s0;
	s0 =	simm.s32 @!p2 $0x0  }
0x16: {  	s3 =	sld [smem:$0x3FDB];
	s0 =	simm.s32 @p2 $0x1  }
0x17: {  	s4 =	simm.s32 $0x1BF5;
	[smem:$0x3FB8] =	sst s0  }
0x18: {  	s0 =	sld [smem:$0x3F9B];
	_ =	swait.ge [sflag:s4], $0x0  }
0x19: {  	s7 =	sld [smem:$0x3F9C]  }
0x1a: {  	s8 =	sadd.s32 $0xFFFFE003, lr  }
0x1b: {  	s9 =	sadd.s32 $0xFFFFFEF7, lr;
	s5 =	simm.s32 $0xFFFFFFFF;
	p2 =	slt.u32 s8, $0xFFFFF086  }
0x1c: {  	p1 =	slt.u32 s9, $0xF7A;
	s5 =	simm.s32 @!p2 $0x0  }
0x1d: {  	s5 =	simm.s32 @p1 $0x1;
	p0 =	seq.s32 s7, s2  }
0x1e: {  	s7 =	smul.u32 @!p0 $0xF7A, s2;
	p2 =	seq.s32 @!p0 s5, $0x0  }
0x1f: {  	s9 =	smul.u32 $0xF7A, s1;
	s8 =	simm.s32 @!p0 $0x1BF5;
	p2 =	por !p2, p0  }
0x20: {  	[sflag:s8] =	ssyncset.s32 @!p0 $0xFFFFF086;
	s6 =	sadd.s32 @!p0 s3, s7;
	s7 =	simm.s32 @!p0 $0x108  }
0x21: {  	s3 =	sadd.s32 s3, s9;
	s6 =	sadd.s32 @!p0 $0x88, s6;
	s7 =	simm.s32 @p2 $0x1082  }
0x22: {  	[simem:s7], [sflag:s8] =	dma.local @!p0 [hbm:s6], $0xF7A  }
0x23: {  	s9 =	sor.u32 $0xD0000000, s2;
	s6 =	simm.s32 $0x108;
	_ =	swait.ge @!p0 [sflag:s8], $0x0  }
0x24: {  	s3 =	sadd.s32 $0x88, s3;
	s6 =	simm.s32 @!p1 $0x1082;
	[sflag:s4] =	ssyncset.s32 $0xFFFFF086  }
0x25: {  	[simem:s6], [sflag:s4] =	dma.local [hbm:s3], $0xF7A  }
0x26: {  	[smem:$0x3F9C] =	sst s1;
	(tag) =	ssettag s2;
	_ =	strace s9  }
0x27: {  	s1 =	sld [smem:$0x3FAC]  }
0x28: {  	s2 =	sld [smem:$0x3FAD]  }
0x29: {  	s4 =	sld [smem:$0x3FAF]  }
0x2a: {  	p0 =	seq.s32 s5, $0x0;
	s5 =	sld [smem:$0x3FB0]  }
0x2b: {  	s6 =	sld [smem:$0x3FB1]  }
0x2c: {  	s7 =	sld [smem:$0x3FB2]  }
0x2d: {  	s3 =	simm.s32 $0x108;
	s8 =	sld [smem:$0x3FB3]  }
0x2e: {  	s3 =	simm.s32 @!p0 $0x1082;
	s9 =	sld [smem:$0x3FB4]  }
0x2f: {  	lr =	sadd.s32 s0, s3;
	s0 =	sld [smem:$0x3FAB]  }
0x30: {  	s3 =	sld [smem:$0x3FAE]  }
0x31: {  	[smem:$0x3FB7] =	sst s10  }
0x32: {  	s10 =	sld [smem:$0x3FB5];
	_ =	sdelay $0x3  }
0x33: {  	p0 =	seq.s32 s10, $0x1;
	s10 =	sld [smem:$0x3FB7];
	_ =	sdelay $0x3  }
0x34: {  	[smem:$0x3FB7] =	sst s10  }
0x35: {  	s10 =	sld [smem:$0x3FB6];
	_ =	sdelay $0x3  }
0x36: {  	p1 =	seq.s32 s10, $0x1;
	s10 =	sld [smem:$0x3FB7];
	_ =	sdelay $0x3  }
0x37: {  	[smem:$0x3FB7] =	sst s10  }
0x38: {  	s10 =	sld [smem:$0x3FB8]  }
0x39: {  	_ = 	snop;
	(pc) =	sbr.ind lr, $3  }
0x3a: {  	_ = 	snop  }
0x3b: {  	_ = 	snop  }
0x3c: {  	p2 =	seq.s32 s10, $0x1;
	s10 =	sld [smem:$0x3FB7]  }
0x3d: {  	_ =	shalt  }
0x3e: {  	_ =	shalt  }
0x3f: {  	_ =	shalt  }
0x40: {  	_ =	shalt  }
0x41: {  	_ =	shalt  }
0x42: {  	_ =	shalt  }
0x43: {  	_ =	shalt  }
0x44: {  	_ =	shalt  }
0x45: {  	_ =	shalt  }
0x46: {  	_ =	shalt  }
0x47: {  	_ =	shalt  }
0x48: {  	_ =	shalt  }
0x49: {  	_ =	shalt  }
0x4a: {  	_ =	shalt  }
0x4b: {  	_ =	shalt  }
0x4c: {  	_ =	shalt  }
0x4d: {  	_ =	shalt  }
0x4e: {  	_ =	shalt  }
0x4f: {  	_ =	shalt  }
0x50: {  	_ =	shalt  }
0x51: {  	_ =	shalt  }
0x52: {  	_ =	shalt  }
0x53: {  	_ =	shalt  }
0x54: {  	_ =	shalt  }
0x55: {  	_ =	shalt  }
0x56: {  	_ =	shalt  }
0x57: {  	_ =	shalt  }
0x58: {  	_ =	shalt  }
0x59: {  	_ =	shalt  }
0x5a: {  	_ =	shalt  }
0x5b: {  	_ =	shalt  }
0x5c: {  	_ =	shalt  }
0x5d: {  	_ =	shalt  }
0x5e: {  	_ =	shalt  }
0x5f: {  	_ =	shalt  }
0x60: {  	_ =	shalt  }
0x61: {  	_ =	shalt  }
0x62: {  	_ =	shalt  }
0x63: {  	_ =	shalt  }
0x64: {  	_ =	shalt  }
0x65: {  	_ =	shalt  }
0x66: {  	_ =	shalt  }
0x67: {  	_ =	shalt  }
0x68: {  	_ =	shalt  }
0x69: {  	_ =	shalt  }
0x6a: {  	_ =	shalt  }
0x6b: {  	_ =	shalt  }
0x6c: {  	_ =	shalt  }
0x6d: {  	_ =	shalt  }
0x6e: {  	_ =	shalt  }
0x6f: {  	_ =	shalt  }
0x70: {  	_ =	shalt  }
0x71: {  	_ =	shalt  }
0x72: {  	_ =	shalt  }
0x73: {  	_ =	shalt  }
0x74: {  	_ =	shalt  }
0x75: {  	_ =	shalt  }
0x76: {  	_ =	shalt  }
0x77: {  	_ =	shalt  }
0x78: {  	_ =	shalt  }
0x79: {  	_ =	shalt  }
0x7a: {  	_ =	shalt  }
0x7b: {  	_ =	shalt  }
0x7c: {  	_ =	shalt  }
0x7d: {  	_ =	shalt  }
0x7e: {  	_ =	shalt  }
0x7f: {  	_ =	shalt  }
0x80: {  	_ =	shalt  }
0x81: {  	_ =	shalt  }
0x82: {  	_ =	shalt  }
0x83: {  	_ =	shalt  }
0x84: {  	_ =	shalt  }
0x85: {  	_ =	shalt  }
0x86: {  	_ =	shalt  }
0x87: {  	_ =	shalt  }
.Lfunc_end0:
.L_simem_size_0:
called_computation.2_lowered:
.L_overlay_start_0:
0x88: {  	s2 =	sld [smem:$0x3FD9]  }
0x89: {  	s3 =	sld [smem:$0x3FFE];
	_ =	sdelay $0x1  }
0x8a: {  	s1 =	srdreg.scid  }
0x8b: {  	s0 =	sand.u32 $0x1, s1  }
0x8c: {  	s17 =	sshll.u32 s0, $0xA;
	s2 =	sadd.s32 s3, s2  }
0x8d: {  	s2 =	sadd.s32 s2, s17  }
0x8e: {  	[smem:$0x3FC3] =	sst s2  }
0x8f: {  	_ = 	snop  }
0x90: {  	(tm) =	ssettm $0x1  }
0x91: {  	s18 =	sld [smem:$0x3FFB];
	_ =	sdelay $0x3  }
0x92: {  	_ =	strace s18  }
0x93: {  	s2 =	sld [smem:$0x3FFC];
	_ =	sdelay $0x3  }
0x94: {  	_ =	strace s2  }
0x95: {  	s2 =	sld [smem:$0x3FFD];
	_ =	sdelay $0x3  }
0x96: {  	_ =	strace s2  }
0x97: {  	_ =	strace $0x8FFFFFFF  }
0x98: {  	s19 =	sld [smem:$0x3FDB];
	_ =	sdelay $0x1  }
0x99: {  	s20 =	simm.s32 $_scs_section_size  }
0x9a: {  	s4 =	simm.s32 $_size__tile_overlayer_lowered;
	s5 =	simm.s32 $_tile_overlayer_lowered  }
0x9b: {  	s6 =	simm.s32 $0x1BFF;
	s21 =	sshll.u32 s5, $0x1;
	s3 =	sadd.s32 s20, s19  }
0x9c: {  	s22 =	simm.s32 $0x0;
	s4 =	sshll.u32 s4, $0x1;
	s5 =	sadd.s32 s21, s3  }
0x9d: {  	[timem:s22], [sflag:s6] =	dma.local [hbm:s5], s4  }
0x9e: {  	_ =	swait.ge [sflag:s6], s4  }
0x9f: {  	s4 =	ssub.s32 $0x0, s4;
	[sflag:s6] =	ssyncset.done $0x0  }
0xa0: {  	[sflag:s6] =	ssyncadd.s32 s4;
	_ =	sdelay $0x1  }
0xa1: {  	s23 =	simm.s32 $0x1B8B  }
0xa2: {  	_ =	swait.ge [sflag:s23], $0x1  }
0xa3: {  	[sflag:s23] =	ssyncset.done $0x0  }
0xa4: {  	[sflag:s23] =	ssyncadd.s32 $0xFFFFFFFF  }
0xa5: {  	s4 =	sld [smem:$0x0]  }
0xa6: {  	s5 =	sand.u32 $0xFFFFFFFE, s1  }
0xa7: {  	p0 =	sne.s32 s1, s5  }
0xa8: {  	s5 =	sshll.u32 @p0 s5, $0xE  }
0xa9: {  	s5 =	sadd.s32 @p0 $0x11B8D, s5;
	s6 =	sshll.u32 @p0 s4, $0x11  }
0xaa: {  	s5 =	sor.u32 @p0 s6, s5  }
0xab: {  	[sflag:s5] =	ssyncadd.remote.s32 @p0 $0x1;
	_ =	sdelay $0x1  }
0xac: {  	s5 =	simm.s32 @p0 $0x1B8D  }
0xad: {  	_ =	swait.eq @p0 [sflag:s5], $0x1  }
0xae: {  	[sflag:s5] =	ssyncadd.s32 @p0 $0xFFFFFFFF  }
0xaf: {  	s6 =	sshll.u32 @!p0 s1, $0xE  }
0xb0: {  	s6 =	sor.u32 @!p0 $0x4000, s6;
	s5 =	simm.s32 @!p0 $0x1B8D  }
0xb1: {  	s4 =	sshll.u32 @!p0 s4, $0x11;
	s6 =	sadd.s32 @!p0 $0x11B8D, s6;
	_ =	swait.eq @!p0 [sflag:s5], $0x1  }
0xb2: {  	s4 =	sor.u32 @!p0 s4, s6;
	[sflag:s5] =	ssyncadd.s32 @!p0 $0xFFFFFFFF  }
0xb3: {  	s25 =	simm.s32 $0x1B8E;
	s24 =	sld [smem:$0x3FFE];
	[sflag:s4] =	ssyncadd.remote.s32 @!p0 $0x1  }
0xb4: {  	s26 =	simm.s32 $execute0_lowered;
	[smem:$0x3FD2] =	sst s25  }
0xb5: {  	s5 =	sshll.u32 s26, $0x1;
	_ =	strace $0x80000049;
	[dreg:$0x1] =	wrdreg $0xFFFFFFFF  }
0xb6: {  	s28 =	simm.s32 $_size_execute0_lowered;
	s3 =	sadd.s32 s3, s5;
	[dreg:$0x0] =	wrdreg $0x0  }
0xb7: {  	s5 =	sshll.u32 s28, $0x1;
	[dreg:$0x2] =	wrdreg s3  }
0xb8: {  	[dreg:$0x3] =	wrdreg s5  }
0xb9: {  	[dreg:$0x4] =	wrdreg $0xC0  }
0xba: {  	_ =	task [dreg:s22], $0x5FFFF  }
0xbb: {  	[dreg:$0x1] =	wrdreg $0xFFFFFFFF  }
0xbc: {  	[dreg:$0x0] =	wrdreg $0x60  }
0xbd: {  	[dreg:$0x2] =	wrdreg s24  }
0xbe: {  	[dreg:$0x3] =	wrdreg $0xB  }
0xbf: {  	_ =	task.clear_ibuf [dreg:s22], $0x4FFFF;
	_ =	strace $0x90000049  }
0xc0: {  	s29 =	simm.s32 $0xB;
	_ =	strace $0x8000004B  }
0xc1: {  	_ =	swait.ge [sflag:s29], $0x1  }
0xc2: {  	[sflag:s29] =	ssyncadd.s32 $0xFFFFFFFF  }
0xc3: {  	_ =	strace $0x9000004B  }
0xc4: {  	_ =	sfence  }
0xc5: {  	s30 =	sld [smem:$0x0];
	_ =	sdelay $0x2  }
0xc6: {  	s31 =	sshll.u32 s1, $0xD;
	s1 =	sshrl.u32 s1, $0x2  }
0xc7: {  	s4 =	sand.u32 $0x4000, s31;
	s1 =	sadd.s32 s1, s30  }
0xc8: {  	s0 =	sor.u32 s4, s0;
	s1 =	sshll.u32 s1, $0x11  }
0xc9: {  	s0 =	sor.u32 s1, s0  }
0xca: {  	s0 =	sadd.s32 $0x8F2B, s0  }
0xcb: {  	[sflag:s0] =	ssyncadd.remote.s32 $0x1  }
0xcc: {  	_ =	sfence.sel $0xFFFF  }
0xcd: {  	[dreg:$0x0] =	wrdreg $0xFFFFFFFF;
	(pc) =	sbr.abs _section_cstart, $3  }
0xce: {  	[dreg:$0x1] =	wrdreg $0xFFFFFFFF  }
0xcf: {  	_ =	task.clear_ibuf [dreg:s22], $0x2FFFF;
	_ =	strace $0x9FFFFFFF  }
0xd0: {  	(tm) =	ssettm $0x7FFFFFFF  }
0xd1: {  	_ =	shalt  }
tec
execute0_lowered:
.L_overlay_start_1:
0x0: {  	(tag) =	ssettag $0x1  }
0x1: {  	s4 =	rddreg [dreg:$0x0]  }
0x2: {  	s0 =	rddreg [dreg:$0x1]  }
0x3: {  	s3 =	srdreg.scid;
	s1 =	stileid.u32  }
0x4: {  	s2 =	simm.s32 $0x0;
	s14 =	simm.s32 $0x1;
	s10 =	smul.u32 $0xC8000, s1  }
0x5: {  	s15 =	simm.s32 $0x2;
	s5 =	sand.u32 $0x1, s3;
	s25 =	smul.u32 $0x3200, s1  }
0x6: {  	s16 =	simm.s32 $0x1880;
	s24 =	sshll.u32 s1, $0x1;
	s12 =	smul.u32 $0x64000, s5  }
0x7: {  	s17 =	simm.s32 $0x0;
	s6 =	sor.u32 s5, s24;
	s28 =	smul.u32 $0x1900, s5  }
0x8: {  	[smem:$0x7FF] =	sst s2;
	s3 =	sadd.s32 $0xF44200, s4;
	s7 =	smul.u32 $0x1900, s6  }
0x9: {  	s13 =	sadd.s32 $0x19E600, s4;
	s9 =	ssub.s32 $0x2, s5;
	s8 =	smul.u32 $0x64000, s6  }
0xa: {  	_ =	strace $0x8000004A;
	s11 =	sshrl.u32 s9, $0x1;
	s29 =	smul.u32 $0xC800, s6  }
0xb: {  	s9 =	ssub.s32 s9, s11;
	s30 =	sadd.s32 s12, s10;
	s12 =	simm.s32 $0x1900  }
0xc: {  	s7 =	sshrl.u32 s7, $0x3;
	s26 =	sshrl.u32 s8, $0x3;
	s5 =	smax.u32 s9, $0x1  }
0xd: {  	s8 =	sadd.s32 s28, s25;
	s9 =	sadd.s32 s13, s29;
	s10 =	sshrl.u32 s30, $0x3  }
0xe: {  	s7 =	sadd.s32 s7, s4;
	s11 =	sshll.u32 s8, $0x3;
	s8 =	sadd.s32 s10, s13  }
0xf: {  	s10 =	simm.s32 $0x3;
	s4 =	sadd.s32 $0x1E00, s7;
	s7 =	sadd.s32 s13, s26  }
0x10: {  	s31 =	sadd.s32 s11, s13;
	s11 =	simm.s32 $0x80;
	s13 =	simm.s32 $0x3900  }
0x11: {  	s6 =	sadd.s32 $0xC000, s7;
	s7 =	sadd.s32 $0xC400, s9;
	s9 =	sadd.s32 $0x400, s31  }
.LBB2_1:
0x12: {  	[tilespmem:s2], [sflag:$0x3] =	stream.linear.gather [hbm4b:s4+s2], $0x1900, $0x38;
	[tilespmem:$0x5900] =	vst v63  }
0x13: {  	_ =	swait.ge [sflag:s10], $0x1900  }
0x14: {  	[sflag:s10] =	ssyncset.done $0x0  }
0x15: {  	[sflag:s10] =	ssyncadd.s32 $0xFFFFE700  }
0x16: {  	[tilespmem:s12], [sflag:$0x1] =	stream.indirect.gather [hbm4b:s3+s11], $0x40, s2, s11, $0xb8;
	[tilespmem:$0x5900] =	vst v63  }
0x17: {  	s18 =	simm.s32 $0x80  }
0x18: {  	[tilespmem:s13], [sflag:$0x2] =	stream.indirect.gather [hbm4b:s3+s11], $0x40, s18, s11, $0xb8;
	[tilespmem:$0x5900] =	vst v63  }
0x19: {  	_ =	swait.ge [sflag:s14], $0x2000  }
0x1a: {  	[sflag:s14] =	ssyncset.done $0x0  }
0x1b: {  	s29 =	sadd.s32 $0x0, s8;
	[sflag:s14] =	ssyncadd.s32 $0xFFFFE000  }
0x1c: {  	[hbm4b:s29+s2] =	stream.linear.scatter [tilespmem:s12], [sflag:$0x3], $0x2000, $0x38;
	[tilespmem:$0x5900] =	vst v63  }
0x1d: {  	_ =	swait.ge [sflag:s10], $0x2000  }
0x1e: {  	[sflag:s10] =	ssyncset.done $0x0  }
0x1f: {  	s30 =	simm.s32 $0x100;
	[sflag:s10] =	ssyncadd.s32 $0xFFFFE000  }
0x20: {  	[tilespmem:s12], [sflag:$0x1] =	stream.indirect.gather [hbm4b:s3+s11], $0x40, s30, s11, $0xb8;
	[tilespmem:$0x5900] =	vst v63  }
0x21: {  	_ =	swait.ge [sflag:s15], $0x2000  }
0x22: {  	[sflag:s15] =	ssyncset.done $0x0  }
0x23: {  	s31 =	sadd.s32 $0x0, s9;
	[sflag:s15] =	ssyncadd.s32 $0xFFFFE000  }
0x24: {  	[hbm4b:s31+s2] =	stream.linear.scatter [tilespmem:s13], [sflag:$0x3], $0x2000, $0x38;
	[tilespmem:$0x5900] =	vst v63  }
0x25: {  	s20 =	simm.s32 $0x1000;
	_ =	swait.ge [sflag:s10], $0x2000  }
0x26: {  	s19 =	simm.s32 $0x200;
	s18 =	simm.s32 $0x800;
	[sflag:s10] =	ssyncset.done $0x0  }
.LBB2_2:
0x27: {  	p0 =	sne.s32 s20, $0xB800;
	s21 =	sadd.s32 $0xFFFFFF80, s19;
	[sflag:s10] =	ssyncadd.s32 $0xFFFFE000  }
0x28: {  	[tilespmem:s13], [sflag:$0x2] =	stream.indirect.gather [hbm4b:s3+s11], $0x40, s21, s11, $0xb8;
	[tilespmem:$0x5900] =	vst v63  }
0x29: {  	s21 =	smov.u32 s20;
	s20 =	sadd.s32 $0x800, s20;
	_ =	swait.ge [sflag:s14], $0x2000  }
0x2a: {  	[sflag:s14] =	ssyncset.done $0x0  }
0x2b: {  	s22 =	sadd.s32 s18, s8;
	[sflag:s14] =	ssyncadd.s32 $0xFFFFE000  }
0x2c: {  	[hbm4b:s22+s2] =	stream.linear.scatter [tilespmem:s12], [sflag:$0x3], $0x2000, $0x38;
	[tilespmem:$0x5900] =	vst v63  }
0x2d: {  	_ =	swait.ge [sflag:s10], $0x2000  }
0x2e: {  	[sflag:s10] =	ssyncset.done $0x0  }
0x2f: {  	[sflag:s10] =	ssyncadd.s32 $0xFFFFE000  }
0x30: {  	[tilespmem:s12], [sflag:$0x1] =	stream.indirect.gather [hbm4b:s3+s11], $0x40, s19, s11, $0xb8;
	[tilespmem:$0x5900] =	vst v63  }
0x31: {  	_ =	swait.ge [sflag:s15], $0x2000  }
.Ltmp0:
0x32: {  	[sflag:s15] =	ssyncset.done $0x0;
	(pc) =	sbr.rel @p0 .LBB2_2-.Ltmp0, $4  }
0x33: {  	s22 =	sadd.s32 s18, s9;
	s18 =	smov.u32 s21;
	[sflag:s15] =	ssyncadd.s32 $0xFFFFE000  }
0x34: {  	[hbm4b:s22+s2] =	stream.linear.scatter [tilespmem:s13], [sflag:$0x3], $0x2000, $0x38;
	[tilespmem:$0x5900] =	vst v63  }
0x35: {  	_ =	swait.ge [sflag:s10], $0x2000  }
0x36: {  	s19 =	sadd.s32 $0x100, s19;
	[sflag:s10] =	ssyncset.done $0x0  }
0x37: {  	s20 =	sadd.s32 $0xFFFFFF80, s19;
	[sflag:s10] =	ssyncadd.s32 $0xFFFFE000  }
0x38: {  	[tilespmem:s13], [sflag:$0x2] =	stream.indirect.gather [hbm4b:s3+s11], $0x40, s20, s11, $0xb8;
	[tilespmem:$0x5900] =	vst v63  }
0x39: {  	_ =	swait.ge [sflag:s14], $0x2000  }
0x3a: {  	[sflag:s14] =	ssyncset.done $0x0  }
0x3b: {  	s30 =	sadd.s32 s18, s8;
	[sflag:s14] =	ssyncadd.s32 $0xFFFFE000  }
0x3c: {  	[hbm4b:s30+s2] =	stream.linear.scatter [tilespmem:s12], [sflag:$0x3], $0x2000, $0x38;
	[tilespmem:$0x5900] =	vst v63  }
0x3d: {  	_ =	swait.ge [sflag:s10], $0x2000  }
0x3e: {  	[sflag:s10] =	ssyncset.done $0x0  }
0x3f: {  	[sflag:s10] =	ssyncadd.s32 $0xFFFFE000  }
0x40: {  	[tilespmem:s12], [sflag:$0x1] =	stream.indirect.gather [hbm4b:s3+s11], $0x40, s19, s11, $0xb8;
	[tilespmem:$0x5900] =	vst v63  }
0x41: {  	_ =	swait.ge [sflag:s15], $0x2000  }
0x42: {  	[sflag:s15] =	ssyncset.done $0x0  }
0x43: {  	s31 =	sadd.s32 s18, s9;
	[sflag:s15] =	ssyncadd.s32 $0xFFFFE000  }
0x44: {  	[hbm4b:s31+s2] =	stream.linear.scatter [tilespmem:s13], [sflag:$0x3], $0x2000, $0x38;
	[tilespmem:$0x5900] =	vst v63  }
0x45: {  	_ =	swait.ge [sflag:s10], $0x2000  }
0x46: {  	[sflag:s10] =	ssyncset.done $0x0  }
0x47: {  	[sflag:s10] =	ssyncadd.s32 $0xFFFFE000  }
0x48: {  	[tilespmem:s13], [sflag:$0x2] =	stream.indirect.gather [hbm4b:s3+s11], $0x40, s16, s11, $0xb8;
	[tilespmem:$0x5900] =	vst v63  }
0x49: {  	_ =	swait.ge [sflag:s14], $0x2000  }
0x4a: {  	[sflag:s14] =	ssyncset.done $0x0  }
0x4b: {  	[sflag:s14] =	ssyncadd.s32 $0xFFFFE000  }
0x4c: {  	[hbm4b:s6+s2] =	stream.linear.scatter [tilespmem:s12], [sflag:$0x3], $0x2000, $0x38;
	[tilespmem:$0x5900] =	vst v63  }
0x4d: {  	_ =	swait.ge [sflag:s10], $0x2000  }
0x4e: {  	[sflag:s10] =	ssyncset.done $0x0  }
0x4f: {  	[sflag:s10] =	ssyncadd.s32 $0xFFFFE000  }
0x50: {  	s17 =	sadd.s32 $0x1, s17;
	_ =	swait.ge [sflag:s15], $0x2000  }
0x51: {  	p0 =	sne.s32 s17, s5;
	[sflag:s15] =	ssyncset.done $0x0  }
.Ltmp1:
0x52: {  	[sflag:s15] =	ssyncadd.s32 $0xFFFFE000;
	(pc) =	sbr.rel @p0 .LBB2_1-.Ltmp1, $4  }
0x53: {  	[hbm4b:s7+s2] =	stream.linear.scatter [tilespmem:s13], [sflag:$0x3], $0x2000, $0x38;
	[tilespmem:$0x5900] =	vst v63  }
0x54: {  	_ =	swait.ge [sflag:s10], $0x2000  }
0x55: {  	[sflag:s10] =	ssyncset.done $0x0  }
0x56: {  	[sflag:s10] =	ssyncadd.s32 $0xFFFFE000  }
0x57: {  	_ =	sfence.sel $0x180000  }
0x58: {  	[bflag:$0x0] =	sbarrier.arrive $0xFFFF  }
0x59: {  	p0 =	sne.s32 s1, $0x0;
	_ =	strace $0x9000004A  }
0x5a: {  	s0 =	sadd.s32 @!p0 $0x100000, s0;
	[bflag:$0x2] =	sbarrier.arrive $0xFFFF  }
0x5b: {  	[sflag:s0] =	ssyncadd.tile.s32 @!p0 $0x1;
	_ =	shalt  }
.Lfunc_end2:
_tile_overlayer_lowered:
.L_overlay_start_2:
0x5c: {  	(tag) =	ssettag $0x2  }
0x5d: {  	s0 =	rddreg [dreg:$0x0];
	s2 =	stileid.u32  }
0x5e: {  	s1 =	rddreg [dreg:$0x1];
	p0 =	sne.s32 s2, $0x0  }
0x5f: {  	s3 =	rddreg [dreg:$0x2];
	[bflag:$0x3] =	sbarrier.arrive $0xFFFF;
	s2 =	simm.s32 @!p0 $0x1C03  }
0x60: {  	[timem:s3], [sflag:s2] =	dma.local @!p0 [hbm:s0], s1  }
0x61: {  	s0 =	simm.s32 @!p0 $0x3  }
0x62: {  	_ =	swait.ge @!p0 [sflag:s0], s1  }
0x63: {  	s1 =	ssub.s32 @!p0 $0x0, s1;
	[sflag:s0] =	ssyncset.done @!p0 $0x0  }
0x64: {  	[sflag:s0] =	ssyncadd.s32 @!p0 s1  }
0x65: {  	[bflag:$0x3] =	sbarrier.arrive $0xFFFF  }
0x66: {  	_ =	shalt  }

// kernel: kernel.19.cloned.1.call-start
scs
__scs_entry_jumppad:
0x0: {  	(pc) =	sbr.rel $0x88, $3  }
0x1: {  	(tag) =	ssettag $0x0;
	lr =	simm.s32 $0x1  }
0x2: {  	[smem:$0x3F9C] =	sst lr;
	_ =	strace $0xD0000000  }
0x3: {  	_ = 	snop  }
0x4: {  	_ = 	snop  }
0x5: {  	_ = 	snop  }
0x6: {  	_ = 	snop  }
0x7: {  	_ = 	snop  }
__scs_overlays_trampoline_lowered:
0x8: {  	[smem:$0x3FAB] =	sst s0  }
0x9: {  	[smem:$0x3FAC] =	sst s1  }
0xa: {  	[smem:$0x3FAD] =	sst s2  }
0xb: {  	[smem:$0x3FAE] =	sst s3  }
0xc: {  	[smem:$0x3FAF] =	sst s4  }
0xd: {  	[smem:$0x3FB0] =	sst s5  }
0xe: {  	[smem:$0x3FB1] =	sst s6  }
0xf: {  	[smem:$0x3FB2] =	sst s7  }
0x10: {  	[smem:$0x3FB3] =	sst s8  }
0x11: {  	[smem:$0x3FB4] =	sst s9;
	s0 =	simm.s32 @!p0 $0x0  }
0x12: {  	s1 =	sld [smem:$0x3F9A];
	s0 =	simm.s32 @p0 $0x1  }
0x13: {  	[smem:$0x3FB5] =	sst s0;
	s0 =	simm.s32 @!p1 $0x0  }
0x14: {  	s2 =	sld [smem:$0x3F99];
	s0 =	simm.s32 @p1 $0x1  }
0x15: {  	[smem:$0x3FB6] =	sst s0;
	s0 =	simm.s32 @!p2 $0x0  }
0x16: {  	s3 =	sld [smem:$0x3FDB];
	s0 =	simm.s32 @p2 $0x1  }
0x17: {  	s4 =	simm.s32 $0x1BF5;
	[smem:$0x3FB8] =	sst s0  }
0x18: {  	s0 =	sld [smem:$0x3F9B];
	_ =	swait.ge [sflag:s4], $0x0  }
0x19: {  	s7 =	sld [smem:$0x3F9C]  }
0x1a: {  	s8 =	sadd.s32 $0xFFFFE003, lr  }
0x1b: {  	s9 =	sadd.s32 $0xFFFFFEF7, lr;
	s5 =	simm.s32 $0xFFFFFFFF;
	p2 =	slt.u32 s8, $0xFFFFF086  }
0x1c: {  	p1 =	slt.u32 s9, $0xF7A;
	s5 =	simm.s32 @!p2 $0x0  }
0x1d: {  	s5 =	simm.s32 @p1 $0x1;
	p0 =	seq.s32 s7, s2  }
0x1e: {  	s7 =	smul.u32 @!p0 $0xF7A, s2;
	p2 =	seq.s32 @!p0 s5, $0x0  }
0x1f: {  	s9 =	smul.u32 $0xF7A, s1;
	s8 =	simm.s32 @!p0 $0x1BF5;
	p2 =	por !p2, p0  }
0x20: {  	[sflag:s8] =	ssyncset.s32 @!p0 $0xFFFFF086;
	s6 =	sadd.s32 @!p0 s3, s7;
	s7 =	simm.s32 @!p0 $0x108  }
0x21: {  	s3 =	sadd.s32 s3, s9;
	s6 =	sadd.s32 @!p0 $0x88, s6;
	s7 =	simm.s32 @p2 $0x1082  }
0x22: {  	[simem:s7], [sflag:s8] =	dma.local @!p0 [hbm:s6], $0xF7A  }
0x23: {  	s9 =	sor.u32 $0xD0000000, s2;
	s6 =	simm.s32 $0x108;
	_ =	swait.ge @!p0 [sflag:s8], $0x0  }
0x24: {  	s3 =	sadd.s32 $0x88, s3;
	s6 =	simm.s32 @!p1 $0x1082;
	[sflag:s4] =	ssyncset.s32 $0xFFFFF086  }
0x25: {  	[simem:s6], [sflag:s4] =	dma.local [hbm:s3], $0xF7A  }
0x26: {  	[smem:$0x3F9C] =	sst s1;
	(tag) =	ssettag s2;
	_ =	strace s9  }
0x27: {  	s1 =	sld [smem:$0x3FAC]  }
0x28: {  	s2 =	sld [smem:$0x3FAD]  }
0x29: {  	s4 =	sld [smem:$0x3FAF]  }
0x2a: {  	p0 =	seq.s32 s5, $0x0;
	s5 =	sld [smem:$0x3FB0]  }
0x2b: {  	s6 =	sld [smem:$0x3FB1]  }
0x2c: {  	s7 =	sld [smem:$0x3FB2]  }
0x2d: {  	s3 =	simm.s32 $0x108;
	s8 =	sld [smem:$0x3FB3]  }
0x2e: {  	s3 =	simm.s32 @!p0 $0x1082;
	s9 =	sld [smem:$0x3FB4]  }
0x2f: {  	lr =	sadd.s32 s0, s3;
	s0 =	sld [smem:$0x3FAB]  }
0x30: {  	s3 =	sld [smem:$0x3FAE]  }
0x31: {  	[smem:$0x3FB7] =	sst s10  }
0x32: {  	s10 =	sld [smem:$0x3FB5];
	_ =	sdelay $0x3  }
0x33: {  	p0 =	seq.s32 s10, $0x1;
	s10 =	sld [smem:$0x3FB7];
	_ =	sdelay $0x3  }
0x34: {  	[smem:$0x3FB7] =	sst s10  }
0x35: {  	s10 =	sld [smem:$0x3FB6];
	_ =	sdelay $0x3  }
0x36: {  	p1 =	seq.s32 s10, $0x1;
	s10 =	sld [smem:$0x3FB7];
	_ =	sdelay $0x3  }
0x37: {  	[smem:$0x3FB7] =	sst s10  }
0x38: {  	s10 =	sld [smem:$0x3FB8]  }
0x39: {  	_ = 	snop;
	(pc) =	sbr.ind lr, $3  }
0x3a: {  	_ = 	snop  }
0x3b: {  	_ = 	snop  }
0x3c: {  	p2 =	seq.s32 s10, $0x1;
	s10 =	sld [smem:$0x3FB7]  }
0x3d: {  	_ =	shalt  }
0x3e: {  	_ =	shalt  }
0x3f: {  	_ =	shalt  }
0x40: {  	_ =	shalt  }
0x41: {  	_ =	shalt  }
0x42: {  	_ =	shalt  }
0x43: {  	_ =	shalt  }
0x44: {  	_ =	shalt  }
0x45: {  	_ =	shalt  }
0x46: {  	_ =	shalt  }
0x47: {  	_ =	shalt  }
0x48: {  	_ =	shalt  }
0x49: {  	_ =	shalt  }
0x4a: {  	_ =	shalt  }
0x4b: {  	_ =	shalt  }
0x4c: {  	_ =	shalt  }
0x4d: {  	_ =	shalt  }
0x4e: {  	_ =	shalt  }
0x4f: {  	_ =	shalt  }
0x50: {  	_ =	shalt  }
0x51: {  	_ =	shalt  }
0x52: {  	_ =	shalt  }
0x53: {  	_ =	shalt  }
0x54: {  	_ =	shalt  }
0x55: {  	_ =	shalt  }
0x56: {  	_ =	shalt  }
0x57: {  	_ =	shalt  }
0x58: {  	_ =	shalt  }
0x59: {  	_ =	shalt  }
0x5a: {  	_ =	shalt  }
0x5b: {  	_ =	shalt  }
0x5c: {  	_ =	shalt  }
0x5d: {  	_ =	shalt  }
0x5e: {  	_ =	shalt  }
0x5f: {  	_ =	shalt  }
0x60: {  	_ =	shalt  }
0x61: {  	_ =	shalt  }
0x62: {  	_ =	shalt  }
0x63: {  	_ =	shalt  }
0x64: {  	_ =	shalt  }
0x65: {  	_ =	shalt  }
0x66: {  	_ =	shalt  }
0x67: {  	_ =	shalt  }
0x68: {  	_ =	shalt  }
0x69: {  	_ =	shalt  }
0x6a: {  	_ =	shalt  }
0x6b: {  	_ =	shalt  }
0x6c: {  	_ =	shalt  }
0x6d: {  	_ =	shalt  }
0x6e: {  	_ =	shalt  }
0x6f: {  	_ =	shalt  }
0x70: {  	_ =	shalt  }
0x71: {  	_ =	shalt  }
0x72: {  	_ =	shalt  }
0x73: {  	_ =	shalt  }
0x74: {  	_ =	shalt  }
0x75: {  	_ =	shalt  }
0x76: {  	_ =	shalt  }
0x77: {  	_ =	shalt  }
0x78: {  	_ =	shalt  }
0x79: {  	_ =	shalt  }
0x7a: {  	_ =	shalt  }
0x7b: {  	_ =	shalt  }
0x7c: {  	_ =	shalt  }
0x7d: {  	_ =	shalt  }
0x7e: {  	_ =	shalt  }
0x7f: {  	_ =	shalt  }
0x80: {  	_ =	shalt  }
0x81: {  	_ =	shalt  }
0x82: {  	_ =	shalt  }
0x83: {  	_ =	shalt  }
0x84: {  	_ =	shalt  }
0x85: {  	_ =	shalt  }
0x86: {  	_ =	shalt  }
0x87: {  	_ =	shalt  }
.Lfunc_end0:
.L_simem_size_0:
called_computation.3_lowered:
.L_overlay_start_0:
0x88: {  	s2 =	sld [smem:$0x3FD9]  }
0x89: {  	s3 =	sld [smem:$0x3FFE];
	_ =	sdelay $0x1  }
0x8a: {  	s1 =	srdreg.scid  }
0x8b: {  	s0 =	sand.u32 $0x1, s1  }
0x8c: {  	s17 =	sshll.u32 s0, $0xA;
	s2 =	sadd.s32 s3, s2  }
0x8d: {  	s2 =	sadd.s32 s2, s17  }
0x8e: {  	[smem:$0x3FC3] =	sst s2  }
0x8f: {  	_ = 	snop  }
0x90: {  	(tm) =	ssettm $0x1  }
0x91: {  	s18 =	sld [smem:$0x3FFB];
	_ =	sdelay $0x3  }
0x92: {  	_ =	strace s18  }
0x93: {  	s2 =	sld [smem:$0x3FFC];
	_ =	sdelay $0x3  }
0x94: {  	_ =	strace s2  }
0x95: {  	s2 =	sld [smem:$0x3FFD];
	_ =	sdelay $0x3  }
0x96: {  	_ =	strace s2  }
0x97: {  	_ =	strace $0x8FFFFFFF  }
0x98: {  	s19 =	sld [smem:$0x3FDB];
	_ =	sdelay $0x1  }
0x99: {  	s20 =	simm.s32 $_scs_section_size  }
0x9a: {  	s4 =	simm.s32 $_size__tile_overlayer_lowered;
	s5 =	simm.s32 $_tile_overlayer_lowered  }
0x9b: {  	s6 =	simm.s32 $0x1BFF;
	s21 =	sshll.u32 s5, $0x1;
	s3 =	sadd.s32 s20, s19  }
0x9c: {  	s22 =	simm.s32 $0x0;
	s4 =	sshll.u32 s4, $0x1;
	s5 =	sadd.s32 s21, s3  }
0x9d: {  	[timem:s22], [sflag:s6] =	dma.local [hbm:s5], s4  }
0x9e: {  	_ =	swait.ge [sflag:s6], s4  }
0x9f: {  	s4 =	ssub.s32 $0x0, s4;
	[sflag:s6] =	ssyncset.done $0x0  }
0xa0: {  	[sflag:s6] =	ssyncadd.s32 s4;
	_ =	sdelay $0x1  }
0xa1: {  	s23 =	simm.s32 $0x1B8B  }
0xa2: {  	_ =	swait.ge [sflag:s23], $0x1  }
0xa3: {  	[sflag:s23] =	ssyncset.done $0x0  }
0xa4: {  	[sflag:s23] =	ssyncadd.s32 $0xFFFFFFFF  }
0xa5: {  	s4 =	sld [smem:$0x0]  }
0xa6: {  	s5 =	sand.u32 $0xFFFFFFFE, s1  }
0xa7: {  	p0 =	sne.s32 s1, s5  }
0xa8: {  	s5 =	sshll.u32 @p0 s5, $0xE  }
0xa9: {  	s5 =	sadd.s32 @p0 $0x11B8D, s5;
	s6 =	sshll.u32 @p0 s4, $0x11  }
0xaa: {  	s5 =	sor.u32 @p0 s6, s5  }
0xab: {  	[sflag:s5] =	ssyncadd.remote.s32 @p0 $0x1;
	_ =	sdelay $0x1  }
0xac: {  	s5 =	simm.s32 @p0 $0x1B8D  }
0xad: {  	_ =	swait.eq @p0 [sflag:s5], $0x1  }
0xae: {  	[sflag:s5] =	ssyncadd.s32 @p0 $0xFFFFFFFF  }
0xaf: {  	s6 =	sshll.u32 @!p0 s1, $0xE  }
0xb0: {  	s6 =	sor.u32 @!p0 $0x4000, s6;
	s5 =	simm.s32 @!p0 $0x1B8D  }
0xb1: {  	s4 =	sshll.u32 @!p0 s4, $0x11;
	s6 =	sadd.s32 @!p0 $0x11B8D, s6;
	_ =	swait.eq @!p0 [sflag:s5], $0x1  }
0xb2: {  	s4 =	sor.u32 @!p0 s4, s6;
	[sflag:s5] =	ssyncadd.s32 @!p0 $0xFFFFFFFF  }
0xb3: {  	s25 =	simm.s32 $0x1B8E;
	s24 =	sld [smem:$0x3FFE];
	[sflag:s4] =	ssyncadd.remote.s32 @!p0 $0x1  }
0xb4: {  	s26 =	simm.s32 $execute0_lowered;
	[smem:$0x3FD2] =	sst s25  }
0xb5: {  	s5 =	sshll.u32 s26, $0x1;
	_ =	strace $0x8000004C;
	[dreg:$0x1] =	wrdreg $0xFFFFFFFF  }
0xb6: {  	s28 =	simm.s32 $_size_execute0_lowered;
	s3 =	sadd.s32 s3, s5;
	[dreg:$0x0] =	wrdreg $0x0  }
0xb7: {  	s5 =	sshll.u32 s28, $0x1;
	[dreg:$0x2] =	wrdreg s3  }
0xb8: {  	[dreg:$0x3] =	wrdreg s5  }
0xb9: {  	[dreg:$0x4] =	wrdreg $0xC0  }
0xba: {  	_ =	task [dreg:s22], $0x5FFFF  }
0xbb: {  	[dreg:$0x1] =	wrdreg $0xFFFFFFFF  }
0xbc: {  	[dreg:$0x0] =	wrdreg $0x60  }
0xbd: {  	[dreg:$0x2] =	wrdreg s24  }
0xbe: {  	[dreg:$0x3] =	wrdreg $0xC  }
0xbf: {  	_ =	task.clear_ibuf [dreg:s22], $0x4FFFF;
	_ =	strace $0x9000004C  }
0xc0: {  	s29 =	simm.s32 $0xC;
	_ =	strace $0x8000004E  }
0xc1: {  	_ =	swait.ge [sflag:s29], $0x1  }
0xc2: {  	[sflag:s29] =	ssyncadd.s32 $0xFFFFFFFF  }
0xc3: {  	_ =	strace $0x9000004E  }
0xc4: {  	_ =	sfence  }
0xc5: {  	s30 =	sld [smem:$0x0];
	_ =	sdelay $0x2  }
0xc6: {  	s31 =	sshll.u32 s1, $0xD;
	s1 =	sshrl.u32 s1, $0x2  }
0xc7: {  	s4 =	sand.u32 $0x4000, s31;
	s1 =	sadd.s32 s1, s30  }
0xc8: {  	s0 =	sor.u32 s4, s0;
	s1 =	sshll.u32 s1, $0x11  }
0xc9: {  	s0 =	sor.u32 s1, s0  }
0xca: {  	s0 =	sadd.s32 $0x8F2B, s0  }
0xcb: {  	[sflag:s0] =	ssyncadd.remote.s32 $0x1  }
0xcc: {  	_ =	sfence.sel $0xFFFF  }
0xcd: {  	[dreg:$0x0] =	wrdreg $0xFFFFFFFF;
	(pc) =	sbr.abs _section_cstart, $3  }
0xce: {  	[dreg:$0x1] =	wrdreg $0xFFFFFFFF  }
0xcf: {  	_ =	task.clear_ibuf [dreg:s22], $0x2FFFF;
	_ =	strace $0x9FFFFFFF  }
0xd0: {  	(tm) =	ssettm $0x7FFFFFFF  }
0xd1: {  	_ =	shalt  }
tec
execute0_lowered:
.L_overlay_start_1:
0x0: {  	(tag) =	ssettag $0x1  }
0x1: {  	s4 =	rddreg [dreg:$0x0]  }
0x2: {  	s0 =	rddreg [dreg:$0x1]  }
0x3: {  	s3 =	srdreg.scid;
	s1 =	stileid.u32  }
0x4: {  	s2 =	simm.s32 $0x0;
	s14 =	simm.s32 $0x1;
	s10 =	smul.u32 $0xC8000, s1  }
0x5: {  	s15 =	simm.s32 $0x2;
	s5 =	sand.u32 $0x1, s3;
	s25 =	smul.u32 $0x3200, s1  }
0x6: {  	s16 =	simm.s32 $0x1880;
	s24 =	sshll.u32 s1, $0x1;
	s12 =	smul.u32 $0x64000, s5  }
0x7: {  	s17 =	simm.s32 $0x0;
	s6 =	sor.u32 s5, s24;
	s28 =	smul.u32 $0x1900, s5  }
0x8: {  	[smem:$0x7FF] =	sst s2;
	s3 =	sadd.s32 $0xF44200, s4;
	s7 =	smul.u32 $0x1900, s6  }
0x9: {  	s13 =	sadd.s32 $0x32E600, s4;
	s9 =	ssub.s32 $0x2, s5;
	s8 =	smul.u32 $0x64000, s6  }
0xa: {  	_ =	strace $0x8000004D;
	s11 =	sshrl.u32 s9, $0x1;
	s29 =	smul.u32 $0xC800, s6  }
0xb: {  	s9 =	ssub.s32 s9, s11;
	s30 =	sadd.s32 s12, s10;
	s12 =	simm.s32 $0x1900  }
0xc: {  	s7 =	sshrl.u32 s7, $0x3;
	s26 =	sshrl.u32 s8, $0x3;
	s5 =	smax.u32 s9, $0x1  }
0xd: {  	s8 =	sadd.s32 s28, s25;
	s9 =	sadd.s32 s13, s29;
	s10 =	sshrl.u32 s30, $0x3  }
0xe: {  	s7 =	sadd.s32 s7, s4;
	s11 =	sshll.u32 s8, $0x3;
	s8 =	sadd.s32 s10, s13  }
0xf: {  	s10 =	simm.s32 $0x3;
	s4 =	sadd.s32 $0x8200, s7;
	s7 =	sadd.s32 s13, s26  }
0x10: {  	s31 =	sadd.s32 s11, s13;
	s11 =	simm.s32 $0x80;
	s13 =	simm.s32 $0x3900  }
0x11: {  	s6 =	sadd.s32 $0xC000, s7;
	s7 =	sadd.s32 $0xC400, s9;
	s9 =	sadd.s32 $0x400, s31  }
.LBB2_1:
0x12: {  	[tilespmem:s2], [sflag:$0x3] =	stream.linear.gather [hbm4b:s4+s2], $0x1900, $0x38;
	[tilespmem:$0x5900] =	vst v63  }
0x13: {  	_ =	swait.ge [sflag:s10], $0x1900  }
0x14: {  	[sflag:s10] =	ssyncset.done $0x0  }
0x15: {  	[sflag:s10] =	ssyncadd.s32 $0xFFFFE700  }
0x16: {  	[tilespmem:s12], [sflag:$0x1] =	stream.indirect.gather [hbm4b:s3+s11], $0x40, s2, s11, $0xb8;
	[tilespmem:$0x5900] =	vst v63  }
0x17: {  	s18 =	simm.s32 $0x80  }
0x18: {  	[tilespmem:s13], [sflag:$0x2] =	stream.indirect.gather [hbm4b:s3+s11], $0x40, s18, s11, $0xb8;
	[tilespmem:$0x5900] =	vst v63  }
0x19: {  	_ =	swait.ge [sflag:s14], $0x2000  }
0x1a: {  	[sflag:s14] =	ssyncset.done $0x0  }
0x1b: {  	s29 =	sadd.s32 $0x0, s8;
	[sflag:s14] =	ssyncadd.s32 $0xFFFFE000  }
0x1c: {  	[hbm4b:s29+s2] =	stream.linear.scatter [tilespmem:s12], [sflag:$0x3], $0x2000, $0x38;
	[tilespmem:$0x5900] =	vst v63  }
0x1d: {  	_ =	swait.ge [sflag:s10], $0x2000  }
0x1e: {  	[sflag:s10] =	ssyncset.done $0x0  }
0x1f: {  	s30 =	simm.s32 $0x100;
	[sflag:s10] =	ssyncadd.s32 $0xFFFFE000  }
0x20: {  	[tilespmem:s12], [sflag:$0x1] =	stream.indirect.gather [hbm4b:s3+s11], $0x40, s30, s11, $0xb8;
	[tilespmem:$0x5900] =	vst v63  }
0x21: {  	_ =	swait.ge [sflag:s15], $0x2000  }
0x22: {  	[sflag:s15] =	ssyncset.done $0x0  }
0x23: {  	s31 =	sadd.s32 $0x0, s9;
	[sflag:s15] =	ssyncadd.s32 $0xFFFFE000  }
0x24: {  	[hbm4b:s31+s2] =	stream.linear.scatter [tilespmem:s13], [sflag:$0x3], $0x2000, $0x38;
	[tilespmem:$0x5900] =	vst v63  }
0x25: {  	s20 =	simm.s32 $0x1000;
	_ =	swait.ge [sflag:s10], $0x2000  }
0x26: {  	s19 =	simm.s32 $0x200;
	s18 =	simm.s32 $0x800;
	[sflag:s10] =	ssyncset.done $0x0  }
.LBB2_2:
0x27: {  	p0 =	sne.s32 s20, $0xB800;
	s21 =	sadd.s32 $0xFFFFFF80, s19;
	[sflag:s10] =	ssyncadd.s32 $0xFFFFE000  }
0x28: {  	[tilespmem:s13], [sflag:$0x2] =	stream.indirect.gather [hbm4b:s3+s11], $0x40, s21, s11, $0xb8;
	[tilespmem:$0x5900] =	vst v63  }
0x29: {  	s21 =	smov.u32 s20;
	s20 =	sadd.s32 $0x800, s20;
	_ =	swait.ge [sflag:s14], $0x2000  }
0x2a: {  	[sflag:s14] =	ssyncset.done $0x0  }
0x2b: {  	s22 =	sadd.s32 s18, s8;
	[sflag:s14] =	ssyncadd.s32 $0xFFFFE000  }
0x2c: {  	[hbm4b:s22+s2] =	stream.linear.scatter [tilespmem:s12], [sflag:$0x3], $0x2000, $0x38;
	[tilespmem:$0x5900] =	vst v63  }
0x2d: {  	_ =	swait.ge [sflag:s10], $0x2000  }
0x2e: {  	[sflag:s10] =	ssyncset.done $0x0  }
0x2f: {  	[sflag:s10] =	ssyncadd.s32 $0xFFFFE000  }
0x30: {  	[tilespmem:s12], [sflag:$0x1] =	stream.indirect.gather [hbm4b:s3+s11], $0x40, s19, s11, $0xb8;
	[tilespmem:$0x5900] =	vst v63  }
0x31: {  	_ =	swait.ge [sflag:s15], $0x2000  }
.Ltmp0:
0x32: {  	[sflag:s15] =	ssyncset.done $0x0;
	(pc) =	sbr.rel @p0 .LBB2_2-.Ltmp0, $4  }
0x33: {  	s22 =	sadd.s32 s18, s9;
	s18 =	smov.u32 s21;
	[sflag:s15] =	ssyncadd.s32 $0xFFFFE000  }
0x34: {  	[hbm4b:s22+s2] =	stream.linear.scatter [tilespmem:s13], [sflag:$0x3], $0x2000, $0x38;
	[tilespmem:$0x5900] =	vst v63  }
0x35: {  	_ =	swait.ge [sflag:s10], $0x2000  }
0x36: {  	s19 =	sadd.s32 $0x100, s19;
	[sflag:s10] =	ssyncset.done $0x0  }
0x37: {  	s20 =	sadd.s32 $0xFFFFFF80, s19;
	[sflag:s10] =	ssyncadd.s32 $0xFFFFE000  }
0x38: {  	[tilespmem:s13], [sflag:$0x2] =	stream.indirect.gather [hbm4b:s3+s11], $0x40, s20, s11, $0xb8;
	[tilespmem:$0x5900] =	vst v63  }
0x39: {  	_ =	swait.ge [sflag:s14], $0x2000  }
0x3a: {  	[sflag:s14] =	ssyncset.done $0x0  }
0x3b: {  	s30 =	sadd.s32 s18, s8;
	[sflag:s14] =	ssyncadd.s32 $0xFFFFE000  }
0x3c: {  	[hbm4b:s30+s2] =	stream.linear.scatter [tilespmem:s12], [sflag:$0x3], $0x2000, $0x38;
	[tilespmem:$0x5900] =	vst v63  }
0x3d: {  	_ =	swait.ge [sflag:s10], $0x2000  }
0x3e: {  	[sflag:s10] =	ssyncset.done $0x0  }
0x3f: {  	[sflag:s10] =	ssyncadd.s32 $0xFFFFE000  }
0x40: {  	[tilespmem:s12], [sflag:$0x1] =	stream.indirect.gather [hbm4b:s3+s11], $0x40, s19, s11, $0xb8;
	[tilespmem:$0x5900] =	vst v63  }
0x41: {  	_ =	swait.ge [sflag:s15], $0x2000  }
0x42: {  	[sflag:s15] =	ssyncset.done $0x0  }
0x43: {  	s31 =	sadd.s32 s18, s9;
	[sflag:s15] =	ssyncadd.s32 $0xFFFFE000  }
0x44: {  	[hbm4b:s31+s2] =	stream.linear.scatter [tilespmem:s13], [sflag:$0x3], $0x2000, $0x38;
	[tilespmem:$0x5900] =	vst v63  }
0x45: {  	_ =	swait.ge [sflag:s10], $0x2000  }
0x46: {  	[sflag:s10] =	ssyncset.done $0x0  }
0x47: {  	[sflag:s10] =	ssyncadd.s32 $0xFFFFE000  }
0x48: {  	[tilespmem:s13], [sflag:$0x2] =	stream.indirect.gather [hbm4b:s3+s11], $0x40, s16, s11, $0xb8;
	[tilespmem:$0x5900] =	vst v63  }
0x49: {  	_ =	swait.ge [sflag:s14], $0x2000  }
0x4a: {  	[sflag:s14] =	ssyncset.done $0x0  }
0x4b: {  	[sflag:s14] =	ssyncadd.s32 $0xFFFFE000  }
0x4c: {  	[hbm4b:s6+s2] =	stream.linear.scatter [tilespmem:s12], [sflag:$0x3], $0x2000, $0x38;
	[tilespmem:$0x5900] =	vst v63  }
0x4d: {  	_ =	swait.ge [sflag:s10], $0x2000  }
0x4e: {  	[sflag:s10] =	ssyncset.done $0x0  }
0x4f: {  	[sflag:s10] =	ssyncadd.s32 $0xFFFFE000  }
0x50: {  	s17 =	sadd.s32 $0x1, s17;
	_ =	swait.ge [sflag:s15], $0x2000  }
0x51: {  	p0 =	sne.s32 s17, s5;
	[sflag:s15] =	ssyncset.done $0x0  }
.Ltmp1:
0x52: {  	[sflag:s15] =	ssyncadd.s32 $0xFFFFE000;
	(pc) =	sbr.rel @p0 .LBB2_1-.Ltmp1, $4  }
0x53: {  	[hbm4b:s7+s2] =	stream.linear.scatter [tilespmem:s13], [sflag:$0x3], $0x2000, $0x38;
	[tilespmem:$0x5900] =	vst v63  }
0x54: {  	_ =	swait.ge [sflag:s10], $0x2000  }
0x55: {  	[sflag:s10] =	ssyncset.done $0x0  }
0x56: {  	[sflag:s10] =	ssyncadd.s32 $0xFFFFE000  }
0x57: {  	_ =	sfence.sel $0x180000  }
0x58: {  	[bflag:$0x0] =	sbarrier.arrive $0xFFFF  }
0x59: {  	p0 =	sne.s32 s1, $0x0;
	_ =	strace $0x9000004D  }
0x5a: {  	s0 =	sadd.s32 @!p0 $0x100000, s0;
	[bflag:$0x2] =	sbarrier.arrive $0xFFFF  }
0x5b: {  	[sflag:s0] =	ssyncadd.tile.s32 @!p0 $0x1;
	_ =	shalt  }
.Lfunc_end2:
_tile_overlayer_lowered:
.L_overlay_start_2:
0x5c: {  	(tag) =	ssettag $0x2  }
0x5d: {  	s0 =	rddreg [dreg:$0x0];
	s2 =	stileid.u32  }
0x5e: {  	s1 =	rddreg [dreg:$0x1];
	p0 =	sne.s32 s2, $0x0  }
0x5f: {  	s3 =	rddreg [dreg:$0x2];
	[bflag:$0x3] =	sbarrier.arrive $0xFFFF;
	s2 =	simm.s32 @!p0 $0x1C03  }
0x60: {  	[timem:s3], [sflag:s2] =	dma.local @!p0 [hbm:s0], s1  }
0x61: {  	s0 =	simm.s32 @!p0 $0x3  }
0x62: {  	_ =	swait.ge @!p0 [sflag:s0], s1  }
0x63: {  	s1 =	ssub.s32 @!p0 $0x0, s1;
	[sflag:s0] =	ssyncset.done @!p0 $0x0  }
0x64: {  	[sflag:s0] =	ssyncadd.s32 @!p0 s1  }
0x65: {  	[bflag:$0x3] =	sbarrier.arrive $0xFFFF  }
0x66: {  	_ =	shalt  }

</sc_bundles>
